<compile_context>
chip_gen: v7x
topology: tpu7x:2x2x1
jax: 0.10.2.dev20260603
libtpu: 0.0.44.dev20260713+nightly
codegen_flags: <defaults>
</compile_context>

<pallas_src>
import functools

import jax
import jax.numpy as jnp
from jax import lax
from jax.experimental import pallas as pl
from jax.experimental.pallas import tpu as pltpu
from jax.experimental.pallas import tpu_sc as plsc

D = 1024
NC = 2
NS = 16
NW = NC * NS
B = 4 * 8192
S = 8192
B_PER_W = B // NW
W_PER_BATCH = S // B_PER_W
CHUNK = 16
N_CHUNKS = B_PER_W // CHUNK
NB = 6
LA = 3

_mesh = plsc.VectorSubcoreMesh(core_axis_name="c", subcore_axis_name="s")


@functools.partial(
    pl.kernel,
    mesh=_mesh,
    out_type=jax.ShapeDtypeStruct((B, D), jnp.float32),
    scratch_types=(
        [pltpu.VMEM((1, B_PER_W), jnp.int32)]
        + [pltpu.VMEM((CHUNK, D), jnp.float32) for _ in range(NB)]
        + [pltpu.SemaphoreType.DMA for _ in range(2 * NB)]
    ),
)
def _gather_kernel(t_hbm, pe_hbm, out_hbm, idx_v, *bufs):
    rows = bufs[:NB]
    gsem = bufs[NB:2 * NB]
    ssem = bufs[2 * NB:]

    wid = lax.axis_index("s") * NC + lax.axis_index("c")
    base = wid * B_PER_W
    bi = wid // W_PER_BATCH
    s0 = (wid % W_PER_BATCH) * B_PER_W
    pltpu.sync_copy(t_hbm.at[pl.ds(bi, 1), pl.ds(s0, B_PER_W)], idx_v)

    def idx_slice(j):
        return idx_v.at[0, pl.ds(j * CHUNK, CHUNK)]

    def g_start(j, b):
        pltpu.async_copy(pe_hbm.at[idx_slice(j)], rows[b], gsem[b])

    def g_wait(j, b):
        pltpu.make_async_copy(pe_hbm.at[idx_slice(j)], rows[b], gsem[b]).wait()

    def out_slice(j):
        return out_hbm.at[pl.ds(base + j * CHUNK, CHUNK)]

    def s_start(j, b):
        pltpu.async_copy(rows[b], out_slice(j), ssem[b])

    def s_wait(j, b):
        pltpu.make_async_copy(rows[b], out_slice(j), ssem[b]).wait()

    def step(j, jb, full_wait=True, start_next=True):
        g_wait(j, jb)
        s_start(j, jb)
        if full_wait:
            s_wait(j - LA, (jb - LA) % NB)
        if start_next:
            g_start(j + LA, (jb + LA) % NB)

    for j in range(LA):
        g_start(j, j % NB)
    for j in range(LA):
        step(j, j % NB, full_wait=False)

    K = (N_CHUNKS - 2 * LA) // NB

    def body(k, carry):
        jbase = LA + k * NB
        for b in range(NB):
            step(jbase + b, (LA + b) % NB)
        return carry

    lax.fori_loop(0, K, body, 0)

    for j in range(LA + K * NB, N_CHUNKS):
        step(j, j % NB, start_next=(j + LA < N_CHUNKS))
    for j in range(N_CHUNKS - LA, N_CHUNKS):
        s_wait(j, j % NB)


def kernel(t, pe):
    out = _gather_kernel(t.astype(jnp.int32), pe)
    return out.reshape(t.shape[0], t.shape[1], D)

# --- scband reference (transcript-rebuilt; emitter-appended) ---
"""Pipeline reference for scband-positional-encoding-2044404433787 (READ-ONLY COPY).

The authoritative reference and input builder live on the scoring server;
editing this copy changes nothing except your own understanding.
"""

import jax, jax.numpy as jnp
import numpy as np

MAX_SEQ_LEN = 8192
D_MODEL = 1024

def _build_pe(max_seq_len, d_model):
    i_seq = jnp.linspace(0.0, max_seq_len - 1, max_seq_len)
    j_seq = jnp.linspace(0.0, d_model - 2, d_model // 2)
    pos = i_seq[:, None]
    i_2 = j_seq[None, :]
    angle = pos / jnp.power(10000.0, i_2 / d_model)
    pe_2i = jnp.sin(angle)
    pe_2i_1 = jnp.cos(angle)
    pe = jnp.stack((pe_2i, pe_2i_1), axis=2).reshape(max_seq_len, d_model)
    return pe.astype(jnp.float32)

def setup_inputs(seed: int = 0) -> dict:
    key = jax.random.key(seed)
    t = jax.random.randint(key, (4, 8192), 0, MAX_SEQ_LEN, dtype=jnp.int64 if jax.config.jax_enable_x64 else jnp.int32)
    pe = _build_pe(MAX_SEQ_LEN, D_MODEL)
    return {"t": t, "pe": pe}

def reference(t, pe):
    # embedding lookup: pe[t] -> [B, S, d_model]
    return jnp.take(pe, t, axis=0)

if __name__ == "__main__":
    import jax
    _d = setup_inputs()
    print(jax.jit(kernel)(*tuple(_d.values())))

</pallas_src>

<mosaic_0001>
#map = affine_map<(d0, d1) -> (0, 0)>
module attributes {stable_mosaic.version = 14 : i64} {
  func.func @_gather_kernel(%arg0: i32, %arg1: i32, %arg2: memref<4x8192xi32, #tpu.memory_space<hbm>>, %arg3: memref<8192x1024xf32, #tpu.memory_space<hbm>>, %arg4: memref<32768x1024xf32, #tpu.memory_space<hbm>>, %arg5: memref<1x1024xi32, #tpu.memory_space<vmem>>, %arg6: memref<16x1024xf32, #tpu.memory_space<vmem>>, %arg7: memref<16x1024xf32, #tpu.memory_space<vmem>>, %arg8: memref<16x1024xf32, #tpu.memory_space<vmem>>, %arg9: memref<16x1024xf32, #tpu.memory_space<vmem>>, %arg10: memref<16x1024xf32, #tpu.memory_space<vmem>>, %arg11: memref<16x1024xf32, #tpu.memory_space<vmem>>, %arg12: memref<!tpu.dma_semaphore, #tpu.memory_space<semaphore_mem>>, %arg13: memref<!tpu.dma_semaphore, #tpu.memory_space<semaphore_mem>>, %arg14: memref<!tpu.dma_semaphore, #tpu.memory_space<semaphore_mem>>, %arg15: memref<!tpu.dma_semaphore, #tpu.memory_space<semaphore_mem>>, %arg16: memref<!tpu.dma_semaphore, #tpu.memory_space<semaphore_mem>>, %arg17: memref<!tpu.dma_semaphore, #tpu.memory_space<semaphore_mem>>, %arg18: memref<!tpu.dma_semaphore, #tpu.memory_space<semaphore_mem>>, %arg19: memref<!tpu.dma_semaphore, #tpu.memory_space<semaphore_mem>>, %arg20: memref<!tpu.dma_semaphore, #tpu.memory_space<semaphore_mem>>, %arg21: memref<!tpu.dma_semaphore, #tpu.memory_space<semaphore_mem>>, %arg22: memref<!tpu.dma_semaphore, #tpu.memory_space<semaphore_mem>>, %arg23: memref<!tpu.dma_semaphore, #tpu.memory_space<semaphore_mem>>) attributes {dimension_semantics = [#tpu.dimension_semantics<core_parallel>, #tpu.dimension_semantics<subcore_parallel>], iteration_bounds = array<i64: 2, 16>, scalar_prefetch = 0 : i64, scratch_operands = 19 : i64, tpu.core_type = #tpu.core_type<sc_vector_subcore>, window_params = [{transform_indices = #map}, {transform_indices = #map}, {transform_indices = #map}]} {
    %mul3A = arith.constant 2 : i32
    %mul3A_0 = arith.muli %arg1, %mul3A : i32
    %add3A = arith.addi %mul3A_0, %arg0 : i32
    %mul3A_1 = arith.constant 1024 : i32
    %mul3A_2 = arith.muli %add3A, %mul3A_1 : i32
    %jit3A = arith.constant 8 : i32
    %div3A = arith.divsi %add3A, %jit3A : i32
    %sign3A = arith.constant 0 : i32
    %sign3A_3 = arith.cmpi sgt, %add3A, %sign3A : i32
    %sign3A_4 = arith.extui %sign3A_3 : i1 to i32
    %sign3A_5 = arith.constant 0 : i32
    %sign3A_6 = arith.cmpi slt, %add3A, %sign3A_5 : i32
    %sign3A_7 = arith.extui %sign3A_6 : i1 to i32
    %sign3A_8 = arith.subi %sign3A_4, %sign3A_7 : i32
    %sign3A_9 = arith.constant 0 : i32
    %sign3A_10 = arith.cmpi sgt, %jit3A, %sign3A_9 : i32
    %sign3A_11 = arith.extui %sign3A_10 : i1 to i32
    %sign3A_12 = arith.constant 0 : i32
    %sign3A_13 = arith.cmpi slt, %jit3A, %sign3A_12 : i32
    %sign3A_14 = arith.extui %sign3A_13 : i1 to i32
    %sign3A_15 = arith.subi %sign3A_11, %sign3A_14 : i32
    %ne3A = arith.cmpi ne, %sign3A_8, %sign3A_15 : i32
    %rem3A = arith.remsi %add3A, %jit3A : i32
    %ne3A_16 = arith.constant 0 : i32
    %ne3A_17 = arith.cmpi ne, %rem3A, %ne3A_16 : i32
    %and3A = arith.andi %ne3A, %ne3A_17 : i1
    %sub3A = arith.constant 1 : i32
    %sub3A_18 = arith.subi %div3A, %sub3A : i32
    %select_n3A = arith.select %and3A, %sub3A_18, %div3A : i32
    %jit3A_19 = arith.constant 8 : i32
    %eq3A = arith.constant 0 : i32
    %eq3A_20 = arith.cmpi eq, %jit3A_19, %eq3A : i32
    %jit3A_21 = arith.constant 1 : i32
    %select_n3A_22 = arith.select %eq3A_20, %jit3A_21, %jit3A_19 : i32
    %rem3A_23 = arith.remsi %add3A, %select_n3A_22 : i32
    %ne3A_24 = arith.constant 0 : i32
    %ne3A_25 = arith.cmpi ne, %rem3A_23, %ne3A_24 : i32
    %lt3A = arith.constant 0 : i32
    %lt3A_26 = arith.cmpi slt, %rem3A_23, %lt3A : i32
    %lt3A_27 = arith.constant 0 : i32
    %lt3A_28 = arith.cmpi slt, %select_n3A_22, %lt3A_27 : i32
    %ne3A_29 = arith.xori %lt3A_26, %lt3A_28 : i1
    %and3A_30 = arith.andi %ne3A_29, %ne3A_25 : i1
    %add3A_31 = arith.addi %rem3A_23, %select_n3A_22 : i32
    %select_n3A_32 = arith.select %and3A_30, %add3A_31, %rem3A_23 : i32
    %mul3A_33 = arith.constant 1024 : i32
    %mul3A_34 = arith.muli %select_n3A_32, %mul3A_33 : i32
    "tpu.region"() ({
      %run_scoped3A = tpu.sem_alloc : memref<!tpu.dma_semaphore, #tpu.memory_space<semaphore_mem>>
      %dma_start3A_298 = tpu.memref_slice %arg2[%select_n3A, %mul3A_34] : memref<4x8192xi32, #tpu.memory_space<hbm>> -> memref<1x1024xi32, #tpu.memory_space<hbm>>
      %dma_start3A_299 = tpu.memref_slice %arg2[%select_n3A, %mul3A_34] : memref<4x8192xi32, #tpu.memory_space<hbm>> -> memref<1x1024xi32, #tpu.memory_space<hbm>>
      tpu.enqueue_dma source(%dma_start3A_299 : memref<1x1024xi32, #tpu.memory_space<hbm>>) target(%arg5 : memref<1x1024xi32, #tpu.memory_space<vmem>>) target_semaphore(%run_scoped3A : memref<!tpu.dma_semaphore, #tpu.memory_space<semaphore_mem>>)
      %dma_wait3A_300 = tpu.memref_slice %arg2[%select_n3A, %mul3A_34] : memref<4x8192xi32, #tpu.memory_space<hbm>> -> memref<1x1024xi32, #tpu.memory_space<hbm>>
      %dma_wait3A_301 = tpu.memref_slice %arg2[%select_n3A, %mul3A_34] : memref<4x8192xi32, #tpu.memory_space<hbm>> -> memref<1x1024xi32, #tpu.memory_space<hbm>>
      tpu.wait_dma2 semaphore(%run_scoped3A : memref<!tpu.dma_semaphore, #tpu.memory_space<semaphore_mem>>) src(%dma_wait3A_301 : memref<1x1024xi32, #tpu.memory_space<hbm>>) dst(%arg5 : memref<1x1024xi32, #tpu.memory_space<vmem>>)
      tpu.yield
    }) : () -> ()
    %dma_start3A = arith.constant 0 : i32
    %dma_start3A_35 = arith.constant 0 : i32
    %dma_start3A_36 = tpu.memref_slice %arg5[%dma_start3A, %dma_start3A_35] : memref<1x1024xi32, #tpu.memory_space<vmem>> -> memref<1x16xi32, #tpu.memory_space<vmem>>
    %dma_start3A_37 = tpu.memref_squeeze %dma_start3A_36 : memref<1x16xi32, #tpu.memory_space<vmem>> -> memref<16xi32, #tpu.memory_space<vmem>>
    %dma_start3A_38 = arith.constant 0 : i32
    %dma_start3A_39 = arith.constant 0 : i32
    %dma_start3A_40 = tpu.memref_slice %arg3[%dma_start3A_38, %dma_start3A_39] : memref<8192x1024xf32, #tpu.memory_space<hbm>> -> memref<8192x1024xf32, #tpu.memory_space<hbm>>
    tpu.enqueue_indirect_dma source(%dma_start3A_40 : memref<8192x1024xf32, #tpu.memory_space<hbm>>) target(%arg6 : memref<16x1024xf32, #tpu.memory_space<vmem>>) offsets(%dma_start3A_37 : memref<16xi32, #tpu.memory_space<vmem>>) semaphore(%arg12 : memref<!tpu.dma_semaphore, #tpu.memory_space<semaphore_mem>>)
    %dma_start3A_41 = arith.constant 0 : i32
    %dma_start3A_42 = arith.constant 16 : i32
    %dma_start3A_43 = tpu.memref_slice %arg5[%dma_start3A_41, %dma_start3A_42] : memref<1x1024xi32, #tpu.memory_space<vmem>> -> memref<1x16xi32, #tpu.memory_space<vmem>>
    %dma_start3A_44 = tpu.memref_squeeze %dma_start3A_43 : memref<1x16xi32, #tpu.memory_space<vmem>> -> memref<16xi32, #tpu.memory_space<vmem>>
    %dma_start3A_45 = arith.constant 0 : i32
    %dma_start3A_46 = arith.constant 0 : i32
    %dma_start3A_47 = tpu.memref_slice %arg3[%dma_start3A_45, %dma_start3A_46] : memref<8192x1024xf32, #tpu.memory_space<hbm>> -> memref<8192x1024xf32, #tpu.memory_space<hbm>>
    tpu.enqueue_indirect_dma source(%dma_start3A_47 : memref<8192x1024xf32, #tpu.memory_space<hbm>>) target(%arg7 : memref<16x1024xf32, #tpu.memory_space<vmem>>) offsets(%dma_start3A_44 : memref<16xi32, #tpu.memory_space<vmem>>) semaphore(%arg13 : memref<!tpu.dma_semaphore, #tpu.memory_space<semaphore_mem>>)
    %dma_start3A_48 = arith.constant 0 : i32
    %dma_start3A_49 = arith.constant 32 : i32
    %dma_start3A_50 = tpu.memref_slice %arg5[%dma_start3A_48, %dma_start3A_49] : memref<1x1024xi32, #tpu.memory_space<vmem>> -> memref<1x16xi32, #tpu.memory_space<vmem>>
    %dma_start3A_51 = tpu.memref_squeeze %dma_start3A_50 : memref<1x16xi32, #tpu.memory_space<vmem>> -> memref<16xi32, #tpu.memory_space<vmem>>
    %dma_start3A_52 = arith.constant 0 : i32
    %dma_start3A_53 = arith.constant 0 : i32
    %dma_start3A_54 = tpu.memref_slice %arg3[%dma_start3A_52, %dma_start3A_53] : memref<8192x1024xf32, #tpu.memory_space<hbm>> -> memref<8192x1024xf32, #tpu.memory_space<hbm>>
    tpu.enqueue_indirect_dma source(%dma_start3A_54 : memref<8192x1024xf32, #tpu.memory_space<hbm>>) target(%arg8 : memref<16x1024xf32, #tpu.memory_space<vmem>>) offsets(%dma_start3A_51 : memref<16xi32, #tpu.memory_space<vmem>>) semaphore(%arg14 : memref<!tpu.dma_semaphore, #tpu.memory_space<semaphore_mem>>)
    %dma_wait3A = arith.constant 0 : i32
    %dma_wait3A_55 = arith.constant 0 : i32
    %dma_wait3A_56 = tpu.memref_slice %arg5[%dma_wait3A, %dma_wait3A_55] : memref<1x1024xi32, #tpu.memory_space<vmem>> -> memref<1x16xi32, #tpu.memory_space<vmem>>
    %dma_wait3A_57 = tpu.memref_squeeze %dma_wait3A_56 : memref<1x16xi32, #tpu.memory_space<vmem>> -> memref<16xi32, #tpu.memory_space<vmem>>
    %dma_wait3A_58 = arith.constant 0 : i32
    %dma_wait3A_59 = arith.constant 0 : i32
    %dma_wait3A_60 = tpu.memref_slice %arg3[%dma_wait3A_58, %dma_wait3A_59] : memref<8192x1024xf32, #tpu.memory_space<hbm>> -> memref<8192x1024xf32, #tpu.memory_space<hbm>>
    tpu.wait_indirect_dma semaphore(%arg12 : memref<!tpu.dma_semaphore, #tpu.memory_space<semaphore_mem>>) src(%dma_wait3A_60 : memref<8192x1024xf32, #tpu.memory_space<hbm>>) dst(%arg6 : memref<16x1024xf32, #tpu.memory_space<vmem>>)
    %add3A_61 = arith.constant 0 : i32
    %add3A_62 = arith.addi %mul3A_2, %add3A_61 : i32
    %dma_start3A_63 = arith.constant 0 : i32
    %dma_start3A_64 = tpu.memref_slice %arg4[%add3A_62, %dma_start3A_63] : memref<32768x1024xf32, #tpu.memory_space<hbm>> -> memref<16x1024xf32, #tpu.memory_space<hbm>>
    %dma_start3A_65 = arith.constant 0 : i32
    %dma_start3A_66 = tpu.memref_slice %arg4[%add3A_62, %dma_start3A_65] : memref<32768x1024xf32, #tpu.memory_space<hbm>> -> memref<16x1024xf32, #tpu.memory_space<hbm>>
    tpu.enqueue_dma source(%arg6 : memref<16x1024xf32, #tpu.memory_space<vmem>>) target(%dma_start3A_66 : memref<16x1024xf32, #tpu.memory_space<hbm>>) target_semaphore(%arg18 : memref<!tpu.dma_semaphore, #tpu.memory_space<semaphore_mem>>)
    %dma_start3A_67 = arith.constant 0 : i32
    %dma_start3A_68 = arith.constant 48 : i32
    %dma_start3A_69 = tpu.memref_slice %arg5[%dma_start3A_67, %dma_start3A_68] : memref<1x1024xi32, #tpu.memory_space<vmem>> -> memref<1x16xi32, #tpu.memory_space<vmem>>
    %dma_start3A_70 = tpu.memref_squeeze %dma_start3A_69 : memref<1x16xi32, #tpu.memory_space<vmem>> -> memref<16xi32, #tpu.memory_space<vmem>>
    %dma_start3A_71 = arith.constant 0 : i32
    %dma_start3A_72 = arith.constant 0 : i32
    %dma_start3A_73 = tpu.memref_slice %arg3[%dma_start3A_71, %dma_start3A_72] : memref<8192x1024xf32, #tpu.memory_space<hbm>> -> memref<8192x1024xf32, #tpu.memory_space<hbm>>
    tpu.enqueue_indirect_dma source(%dma_start3A_73 : memref<8192x1024xf32, #tpu.memory_space<hbm>>) target(%arg9 : memref<16x1024xf32, #tpu.memory_space<vmem>>) offsets(%dma_start3A_70 : memref<16xi32, #tpu.memory_space<vmem>>) semaphore(%arg15 : memref<!tpu.dma_semaphore, #tpu.memory_space<semaphore_mem>>)
    %dma_wait3A_74 = arith.constant 0 : i32
    %dma_wait3A_75 = arith.constant 16 : i32
    %dma_wait3A_76 = tpu.memref_slice %arg5[%dma_wait3A_74, %dma_wait3A_75] : memref<1x1024xi32, #tpu.memory_space<vmem>> -> memref<1x16xi32, #tpu.memory_space<vmem>>
    %dma_wait3A_77 = tpu.memref_squeeze %dma_wait3A_76 : memref<1x16xi32, #tpu.memory_space<vmem>> -> memref<16xi32, #tpu.memory_space<vmem>>
    %dma_wait3A_78 = arith.constant 0 : i32
    %dma_wait3A_79 = arith.constant 0 : i32
    %dma_wait3A_80 = tpu.memref_slice %arg3[%dma_wait3A_78, %dma_wait3A_79] : memref<8192x1024xf32, #tpu.memory_space<hbm>> -> memref<8192x1024xf32, #tpu.memory_space<hbm>>
    tpu.wait_indirect_dma semaphore(%arg13 : memref<!tpu.dma_semaphore, #tpu.memory_space<semaphore_mem>>) src(%dma_wait3A_80 : memref<8192x1024xf32, #tpu.memory_space<hbm>>) dst(%arg7 : memref<16x1024xf32, #tpu.memory_space<vmem>>)
    %add3A_81 = arith.constant 16 : i32
    %add3A_82 = arith.addi %mul3A_2, %add3A_81 : i32
    %dma_start3A_83 = arith.constant 0 : i32
    %dma_start3A_84 = tpu.memref_slice %arg4[%add3A_82, %dma_start3A_83] : memref<32768x1024xf32, #tpu.memory_space<hbm>> -> memref<16x1024xf32, #tpu.memory_space<hbm>>
    %dma_start3A_85 = arith.constant 0 : i32
    %dma_start3A_86 = tpu.memref_slice %arg4[%add3A_82, %dma_start3A_85] : memref<32768x1024xf32, #tpu.memory_space<hbm>> -> memref<16x1024xf32, #tpu.memory_space<hbm>>
    tpu.enqueue_dma source(%arg7 : memref<16x1024xf32, #tpu.memory_space<vmem>>) target(%dma_start3A_86 : memref<16x1024xf32, #tpu.memory_space<hbm>>) target_semaphore(%arg19 : memref<!tpu.dma_semaphore, #tpu.memory_space<semaphore_mem>>)
    %dma_start3A_87 = arith.constant 0 : i32
    %dma_start3A_88 = arith.constant 64 : i32
    %dma_start3A_89 = tpu.memref_slice %arg5[%dma_start3A_87, %dma_start3A_88] : memref<1x1024xi32, #tpu.memory_space<vmem>> -> memref<1x16xi32, #tpu.memory_space<vmem>>
    %dma_start3A_90 = tpu.memref_squeeze %dma_start3A_89 : memref<1x16xi32, #tpu.memory_space<vmem>> -> memref<16xi32, #tpu.memory_space<vmem>>
    %dma_start3A_91 = arith.constant 0 : i32
    %dma_start3A_92 = arith.constant 0 : i32
    %dma_start3A_93 = tpu.memref_slice %arg3[%dma_start3A_91, %dma_start3A_92] : memref<8192x1024xf32, #tpu.memory_space<hbm>> -> memref<8192x1024xf32, #tpu.memory_space<hbm>>
    tpu.enqueue_indirect_dma source(%dma_start3A_93 : memref<8192x1024xf32, #tpu.memory_space<hbm>>) target(%arg10 : memref<16x1024xf32, #tpu.memory_space<vmem>>) offsets(%dma_start3A_90 : memref<16xi32, #tpu.memory_space<vmem>>) semaphore(%arg16 : memref<!tpu.dma_semaphore, #tpu.memory_space<semaphore_mem>>)
    %dma_wait3A_94 = arith.constant 0 : i32
    %dma_wait3A_95 = arith.constant 32 : i32
    %dma_wait3A_96 = tpu.memref_slice %arg5[%dma_wait3A_94, %dma_wait3A_95] : memref<1x1024xi32, #tpu.memory_space<vmem>> -> memref<1x16xi32, #tpu.memory_space<vmem>>
    %dma_wait3A_97 = tpu.memref_squeeze %dma_wait3A_96 : memref<1x16xi32, #tpu.memory_space<vmem>> -> memref<16xi32, #tpu.memory_space<vmem>>
    %dma_wait3A_98 = arith.constant 0 : i32
    %dma_wait3A_99 = arith.constant 0 : i32
    %dma_wait3A_100 = tpu.memref_slice %arg3[%dma_wait3A_98, %dma_wait3A_99] : memref<8192x1024xf32, #tpu.memory_space<hbm>> -> memref<8192x1024xf32, #tpu.memory_space<hbm>>
    tpu.wait_indirect_dma semaphore(%arg14 : memref<!tpu.dma_semaphore, #tpu.memory_space<semaphore_mem>>) src(%dma_wait3A_100 : memref<8192x1024xf32, #tpu.memory_space<hbm>>) dst(%arg8 : memref<16x1024xf32, #tpu.memory_space<vmem>>)
    %add3A_101 = arith.constant 32 : i32
    %add3A_102 = arith.addi %mul3A_2, %add3A_101 : i32
    %dma_start3A_103 = arith.constant 0 : i32
    %dma_start3A_104 = tpu.memref_slice %arg4[%add3A_102, %dma_start3A_103] : memref<32768x1024xf32, #tpu.memory_space<hbm>> -> memref<16x1024xf32, #tpu.memory_space<hbm>>
    %dma_start3A_105 = arith.constant 0 : i32
    %dma_start3A_106 = tpu.memref_slice %arg4[%add3A_102, %dma_start3A_105] : memref<32768x1024xf32, #tpu.memory_space<hbm>> -> memref<16x1024xf32, #tpu.memory_space<hbm>>
    tpu.enqueue_dma source(%arg8 : memref<16x1024xf32, #tpu.memory_space<vmem>>) target(%dma_start3A_106 : memref<16x1024xf32, #tpu.memory_space<hbm>>) target_semaphore(%arg20 : memref<!tpu.dma_semaphore, #tpu.memory_space<semaphore_mem>>)
    %dma_start3A_107 = arith.constant 0 : i32
    %dma_start3A_108 = arith.constant 80 : i32
    %dma_start3A_109 = tpu.memref_slice %arg5[%dma_start3A_107, %dma_start3A_108] : memref<1x1024xi32, #tpu.memory_space<vmem>> -> memref<1x16xi32, #tpu.memory_space<vmem>>
    %dma_start3A_110 = tpu.memref_squeeze %dma_start3A_109 : memref<1x16xi32, #tpu.memory_space<vmem>> -> memref<16xi32, #tpu.memory_space<vmem>>
    %dma_start3A_111 = arith.constant 0 : i32
    %dma_start3A_112 = arith.constant 0 : i32
    %dma_start3A_113 = tpu.memref_slice %arg3[%dma_start3A_111, %dma_start3A_112] : memref<8192x1024xf32, #tpu.memory_space<hbm>> -> memref<8192x1024xf32, #tpu.memory_space<hbm>>
    tpu.enqueue_indirect_dma source(%dma_start3A_113 : memref<8192x1024xf32, #tpu.memory_space<hbm>>) target(%arg11 : memref<16x1024xf32, #tpu.memory_space<vmem>>) offsets(%dma_start3A_110 : memref<16xi32, #tpu.memory_space<vmem>>) semaphore(%arg17 : memref<!tpu.dma_semaphore, #tpu.memory_space<semaphore_mem>>)
    %scan3A = arith.constant 0 : i32
    %scan3A_114 = arith.constant 0 : i32
    %scan3A_115 = arith.constant 9 : i32
    %scan3A_116 = arith.addi %scan3A_114, %scan3A_115 : i32
    %scan3A_117 = arith.constant 1 : i32
    scf.for %scan3A_298 = %scan3A_114 to %scan3A_116 step %scan3A_117  : i32 {
      %mul3A_299 = arith.constant 6 : i32
      %mul3A_300 = arith.muli %scan3A_298, %mul3A_299 : i32
      %add3A_301 = arith.constant 3 : i32
      %add3A_302 = arith.addi %add3A_301, %mul3A_300 : i32
      %add3A_303 = arith.constant 0 : i32
      %add3A_304 = arith.addi %add3A_302, %add3A_303 : i32
      %mul3A_305 = arith.constant 16 : i32
      %mul3A_306 = arith.muli %add3A_304, %mul3A_305 : i32
      %dma_wait3A_307 = arith.constant 0 : i32
      %dma_wait3A_308 = tpu.memref_slice %arg5[%dma_wait3A_307, %mul3A_306] : memref<1x1024xi32, #tpu.memory_space<vmem>> -> memref<1x16xi32, #tpu.memory_space<vmem>>
      %dma_wait3A_309 = tpu.memref_squeeze %dma_wait3A_308 : memref<1x16xi32, #tpu.memory_space<vmem>> -> memref<16xi32, #tpu.memory_space<vmem>>
      %dma_wait3A_310 = arith.constant 0 : i32
      %dma_wait3A_311 = arith.constant 0 : i32
      %dma_wait3A_312 = tpu.memref_slice %arg3[%dma_wait3A_310, %dma_wait3A_311] : memref<8192x1024xf32, #tpu.memory_space<hbm>> -> memref<8192x1024xf32, #tpu.memory_space<hbm>>
      tpu.wait_indirect_dma semaphore(%arg15 : memref<!tpu.dma_semaphore, #tpu.memory_space<semaphore_mem>>) src(%dma_wait3A_312 : memref<8192x1024xf32, #tpu.memory_space<hbm>>) dst(%arg9 : memref<16x1024xf32, #tpu.memory_space<vmem>>)
      %mul3A_313 = arith.constant 16 : i32
      %mul3A_314 = arith.muli %add3A_304, %mul3A_313 : i32
      %add3A_315 = arith.addi %mul3A_2, %mul3A_314 : i32
      %dma_start3A_316 = arith.constant 0 : i32
      %dma_start3A_317 = tpu.memref_slice %arg4[%add3A_315, %dma_start3A_316] : memref<32768x1024xf32, #tpu.memory_space<hbm>> -> memref<16x1024xf32, #tpu.memory_space<hbm>>
      %dma_start3A_318 = arith.constant 0 : i32
      %dma_start3A_319 = tpu.memref_slice %arg4[%add3A_315, %dma_start3A_318] : memref<32768x1024xf32, #tpu.memory_space<hbm>> -> memref<16x1024xf32, #tpu.memory_space<hbm>>
      tpu.enqueue_dma source(%arg9 : memref<16x1024xf32, #tpu.memory_space<vmem>>) target(%dma_start3A_319 : memref<16x1024xf32, #tpu.memory_space<hbm>>) target_semaphore(%arg21 : memref<!tpu.dma_semaphore, #tpu.memory_space<semaphore_mem>>)
      %sub3A_320 = arith.constant 3 : i32
      %sub3A_321 = arith.subi %add3A_304, %sub3A_320 : i32
      %mul3A_322 = arith.constant 16 : i32
      %mul3A_323 = arith.muli %sub3A_321, %mul3A_322 : i32
      %add3A_324 = arith.addi %mul3A_2, %mul3A_323 : i32
      %dma_wait3A_325 = arith.constant 0 : i32
      %dma_wait3A_326 = tpu.memref_slice %arg4[%add3A_324, %dma_wait3A_325] : memref<32768x1024xf32, #tpu.memory_space<hbm>> -> memref<16x1024xf32, #tpu.memory_space<hbm>>
      %dma_wait3A_327 = arith.constant 0 : i32
      %dma_wait3A_328 = tpu.memref_slice %arg4[%add3A_324, %dma_wait3A_327] : memref<32768x1024xf32, #tpu.memory_space<hbm>> -> memref<16x1024xf32, #tpu.memory_space<hbm>>
      tpu.wait_dma2 semaphore(%arg18 : memref<!tpu.dma_semaphore, #tpu.memory_space<semaphore_mem>>) src(%arg6 : memref<16x1024xf32, #tpu.memory_space<vmem>>) dst(%dma_wait3A_328 : memref<16x1024xf32, #tpu.memory_space<hbm>>)
      %add3A_329 = arith.constant 3 : i32
      %add3A_330 = arith.addi %add3A_304, %add3A_329 : i32
      %mul3A_331 = arith.constant 16 : i32
      %mul3A_332 = arith.muli %add3A_330, %mul3A_331 : i32
      %dma_start3A_333 = arith.constant 0 : i32
      %dma_start3A_334 = tpu.memref_slice %arg5[%dma_start3A_333, %mul3A_332] : memref<1x1024xi32, #tpu.memory_space<vmem>> -> memref<1x16xi32, #tpu.memory_space<vmem>>
      %dma_start3A_335 = tpu.memref_squeeze %dma_start3A_334 : memref<1x16xi32, #tpu.memory_space<vmem>> -> memref<16xi32, #tpu.memory_space<vmem>>
      %dma_start3A_336 = arith.constant 0 : i32
      %dma_start3A_337 = arith.constant 0 : i32
      %dma_start3A_338 = tpu.memref_slice %arg3[%dma_start3A_336, %dma_start3A_337] : memref<8192x1024xf32, #tpu.memory_space<hbm>> -> memref<8192x1024xf32, #tpu.memory_space<hbm>>
      tpu.enqueue_indirect_dma source(%dma_start3A_338 : memref<8192x1024xf32, #tpu.memory_space<hbm>>) target(%arg6 : memref<16x1024xf32, #tpu.memory_space<vmem>>) offsets(%dma_start3A_335 : memref<16xi32, #tpu.memory_space<vmem>>) semaphore(%arg12 : memref<!tpu.dma_semaphore, #tpu.memory_space<semaphore_mem>>)
      %add3A_339 = arith.constant 1 : i32
      %add3A_340 = arith.addi %add3A_302, %add3A_339 : i32
      %mul3A_341 = arith.constant 16 : i32
      %mul3A_342 = arith.muli %add3A_340, %mul3A_341 : i32
      %dma_wait3A_343 = arith.constant 0 : i32
      %dma_wait3A_344 = tpu.memref_slice %arg5[%dma_wait3A_343, %mul3A_342] : memref<1x1024xi32, #tpu.memory_space<vmem>> -> memref<1x16xi32, #tpu.memory_space<vmem>>
      %dma_wait3A_345 = tpu.memref_squeeze %dma_wait3A_344 : memref<1x16xi32, #tpu.memory_space<vmem>> -> memref<16xi32, #tpu.memory_space<vmem>>
      %dma_wait3A_346 = arith.constant 0 : i32
      %dma_wait3A_347 = arith.constant 0 : i32
      %dma_wait3A_348 = tpu.memref_slice %arg3[%dma_wait3A_346, %dma_wait3A_347] : memref<8192x1024xf32, #tpu.memory_space<hbm>> -> memref<8192x1024xf32, #tpu.memory_space<hbm>>
      tpu.wait_indirect_dma semaphore(%arg16 : memref<!tpu.dma_semaphore, #tpu.memory_space<semaphore_mem>>) src(%dma_wait3A_348 : memref<8192x1024xf32, #tpu.memory_space<hbm>>) dst(%arg10 : memref<16x1024xf32, #tpu.memory_space<vmem>>)
      %mul3A_349 = arith.constant 16 : i32
      %mul3A_350 = arith.muli %add3A_340, %mul3A_349 : i32
      %add3A_351 = arith.addi %mul3A_2, %mul3A_350 : i32
      %dma_start3A_352 = arith.constant 0 : i32
      %dma_start3A_353 = tpu.memref_slice %arg4[%add3A_351, %dma_start3A_352] : memref<32768x1024xf32, #tpu.memory_space<hbm>> -> memref<16x1024xf32, #tpu.memory_space<hbm>>
      %dma_start3A_354 = arith.constant 0 : i32
      %dma_start3A_355 = tpu.memref_slice %arg4[%add3A_351, %dma_start3A_354] : memref<32768x1024xf32, #tpu.memory_space<hbm>> -> memref<16x1024xf32, #tpu.memory_space<hbm>>
      tpu.enqueue_dma source(%arg10 : memref<16x1024xf32, #tpu.memory_space<vmem>>) target(%dma_start3A_355 : memref<16x1024xf32, #tpu.memory_space<hbm>>) target_semaphore(%arg22 : memref<!tpu.dma_semaphore, #tpu.memory_space<semaphore_mem>>)
      %sub3A_356 = arith.constant 3 : i32
      %sub3A_357 = arith.subi %add3A_340, %sub3A_356 : i32
      %mul3A_358 = arith.constant 16 : i32
      %mul3A_359 = arith.muli %sub3A_357, %mul3A_358 : i32
      %add3A_360 = arith.addi %mul3A_2, %mul3A_359 : i32
      %dma_wait3A_361 = arith.constant 0 : i32
      %dma_wait3A_362 = tpu.memref_slice %arg4[%add3A_360, %dma_wait3A_361] : memref<32768x1024xf32, #tpu.memory_space<hbm>> -> memref<16x1024xf32, #tpu.memory_space<hbm>>
      %dma_wait3A_363 = arith.constant 0 : i32
      %dma_wait3A_364 = tpu.memref_slice %arg4[%add3A_360, %dma_wait3A_363] : memref<32768x1024xf32, #tpu.memory_space<hbm>> -> memref<16x1024xf32, #tpu.memory_space<hbm>>
      tpu.wait_dma2 semaphore(%arg19 : memref<!tpu.dma_semaphore, #tpu.memory_space<semaphore_mem>>) src(%arg7 : memref<16x1024xf32, #tpu.memory_space<vmem>>) dst(%dma_wait3A_364 : memref<16x1024xf32, #tpu.memory_space<hbm>>)
      %add3A_365 = arith.constant 3 : i32
      %add3A_366 = arith.addi %add3A_340, %add3A_365 : i32
      %mul3A_367 = arith.constant 16 : i32
      %mul3A_368 = arith.muli %add3A_366, %mul3A_367 : i32
      %dma_start3A_369 = arith.constant 0 : i32
      %dma_start3A_370 = tpu.memref_slice %arg5[%dma_start3A_369, %mul3A_368] : memref<1x1024xi32, #tpu.memory_space<vmem>> -> memref<1x16xi32, #tpu.memory_space<vmem>>
      %dma_start3A_371 = tpu.memref_squeeze %dma_start3A_370 : memref<1x16xi32, #tpu.memory_space<vmem>> -> memref<16xi32, #tpu.memory_space<vmem>>
      %dma_start3A_372 = arith.constant 0 : i32
      %dma_start3A_373 = arith.constant 0 : i32
      %dma_start3A_374 = tpu.memref_slice %arg3[%dma_start3A_372, %dma_start3A_373] : memref<8192x1024xf32, #tpu.memory_space<hbm>> -> memref<8192x1024xf32, #tpu.memory_space<hbm>>
      tpu.enqueue_indirect_dma source(%dma_start3A_374 : memref<8192x1024xf32, #tpu.memory_space<hbm>>) target(%arg7 : memref<16x1024xf32, #tpu.memory_space<vmem>>) offsets(%dma_start3A_371 : memref<16xi32, #tpu.memory_space<vmem>>) semaphore(%arg13 : memref<!tpu.dma_semaphore, #tpu.memory_space<semaphore_mem>>)
      %add3A_375 = arith.constant 2 : i32
      %add3A_376 = arith.addi %add3A_302, %add3A_375 : i32
      %mul3A_377 = arith.constant 16 : i32
      %mul3A_378 = arith.muli %add3A_376, %mul3A_377 : i32
      %dma_wait3A_379 = arith.constant 0 : i32
      %dma_wait3A_380 = tpu.memref_slice %arg5[%dma_wait3A_379, %mul3A_378] : memref<1x1024xi32, #tpu.memory_space<vmem>> -> memref<1x16xi32, #tpu.memory_space<vmem>>
      %dma_wait3A_381 = tpu.memref_squeeze %dma_wait3A_380 : memref<1x16xi32, #tpu.memory_space<vmem>> -> memref<16xi32, #tpu.memory_space<vmem>>
      %dma_wait3A_382 = arith.constant 0 : i32
      %dma_wait3A_383 = arith.constant 0 : i32
      %dma_wait3A_384 = tpu.memref_slice %arg3[%dma_wait3A_382, %dma_wait3A_383] : memref<8192x1024xf32, #tpu.memory_space<hbm>> -> memref<8192x1024xf32, #tpu.memory_space<hbm>>
      tpu.wait_indirect_dma semaphore(%arg17 : memref<!tpu.dma_semaphore, #tpu.memory_space<semaphore_mem>>) src(%dma_wait3A_384 : memref<8192x1024xf32, #tpu.memory_space<hbm>>) dst(%arg11 : memref<16x1024xf32, #tpu.memory_space<vmem>>)
      %mul3A_385 = arith.constant 16 : i32
      %mul3A_386 = arith.muli %add3A_376, %mul3A_385 : i32
      %add3A_387 = arith.addi %mul3A_2, %mul3A_386 : i32
      %dma_start3A_388 = arith.constant 0 : i32
      %dma_start3A_389 = tpu.memref_slice %arg4[%add3A_387, %dma_start3A_388] : memref<32768x1024xf32, #tpu.memory_space<hbm>> -> memref<16x1024xf32, #tpu.memory_space<hbm>>
      %dma_start3A_390 = arith.constant 0 : i32
      %dma_start3A_391 = tpu.memref_slice %arg4[%add3A_387, %dma_start3A_390] : memref<32768x1024xf32, #tpu.memory_space<hbm>> -> memref<16x1024xf32, #tpu.memory_space<hbm>>
      tpu.enqueue_dma source(%arg11 : memref<16x1024xf32, #tpu.memory_space<vmem>>) target(%dma_start3A_391 : memref<16x1024xf32, #tpu.memory_space<hbm>>) target_semaphore(%arg23 : memref<!tpu.dma_semaphore, #tpu.memory_space<semaphore_mem>>)
      %sub3A_392 = arith.constant 3 : i32
      %sub3A_393 = arith.subi %add3A_376, %sub3A_392 : i32
      %mul3A_394 = arith.constant 16 : i32
      %mul3A_395 = arith.muli %sub3A_393, %mul3A_394 : i32
      %add3A_396 = arith.addi %mul3A_2, %mul3A_395 : i32
      %dma_wait3A_397 = arith.constant 0 : i32
      %dma_wait3A_398 = tpu.memref_slice %arg4[%add3A_396, %dma_wait3A_397] : memref<32768x1024xf32, #tpu.memory_space<hbm>> -> memref<16x1024xf32, #tpu.memory_space<hbm>>
      %dma_wait3A_399 = arith.constant 0 : i32
      %dma_wait3A_400 = tpu.memref_slice %arg4[%add3A_396, %dma_wait3A_399] : memref<32768x1024xf32, #tpu.memory_space<hbm>> -> memref<16x1024xf32, #tpu.memory_space<hbm>>
      tpu.wait_dma2 semaphore(%arg20 : memref<!tpu.dma_semaphore, #tpu.memory_space<semaphore_mem>>) src(%arg8 : memref<16x1024xf32, #tpu.memory_space<vmem>>) dst(%dma_wait3A_400 : memref<16x1024xf32, #tpu.memory_space<hbm>>)
      %add3A_401 = arith.constant 3 : i32
      %add3A_402 = arith.addi %add3A_376, %add3A_401 : i32
      %mul3A_403 = arith.constant 16 : i32
      %mul3A_404 = arith.muli %add3A_402, %mul3A_403 : i32
      %dma_start3A_405 = arith.constant 0 : i32
      %dma_start3A_406 = tpu.memref_slice %arg5[%dma_start3A_405, %mul3A_404] : memref<1x1024xi32, #tpu.memory_space<vmem>> -> memref<1x16xi32, #tpu.memory_space<vmem>>
      %dma_start3A_407 = tpu.memref_squeeze %dma_start3A_406 : memref<1x16xi32, #tpu.memory_space<vmem>> -> memref<16xi32, #tpu.memory_space<vmem>>
      %dma_start3A_408 = arith.constant 0 : i32
      %dma_start3A_409 = arith.constant 0 : i32
      %dma_start3A_410 = tpu.memref_slice %arg3[%dma_start3A_408, %dma_start3A_409] : memref<8192x1024xf32, #tpu.memory_space<hbm>> -> memref<8192x1024xf32, #tpu.memory_space<hbm>>
      tpu.enqueue_indirect_dma source(%dma_start3A_410 : memref<8192x1024xf32, #tpu.memory_space<hbm>>) target(%arg8 : memref<16x1024xf32, #tpu.memory_space<vmem>>) offsets(%dma_start3A_407 : memref<16xi32, #tpu.memory_space<vmem>>) semaphore(%arg14 : memref<!tpu.dma_semaphore, #tpu.memory_space<semaphore_mem>>)
      %add3A_411 = arith.constant 3 : i32
      %add3A_412 = arith.addi %add3A_302, %add3A_411 : i32
      %mul3A_413 = arith.constant 16 : i32
      %mul3A_414 = arith.muli %add3A_412, %mul3A_413 : i32
      %dma_wait3A_415 = arith.constant 0 : i32
      %dma_wait3A_416 = tpu.memref_slice %arg5[%dma_wait3A_415, %mul3A_414] : memref<1x1024xi32, #tpu.memory_space<vmem>> -> memref<1x16xi32, #tpu.memory_space<vmem>>
      %dma_wait3A_417 = tpu.memref_squeeze %dma_wait3A_416 : memref<1x16xi32, #tpu.memory_space<vmem>> -> memref<16xi32, #tpu.memory_space<vmem>>
      %dma_wait3A_418 = arith.constant 0 : i32
      %dma_wait3A_419 = arith.constant 0 : i32
      %dma_wait3A_420 = tpu.memref_slice %arg3[%dma_wait3A_418, %dma_wait3A_419] : memref<8192x1024xf32, #tpu.memory_space<hbm>> -> memref<8192x1024xf32, #tpu.memory_space<hbm>>
      tpu.wait_indirect_dma semaphore(%arg12 : memref<!tpu.dma_semaphore, #tpu.memory_space<semaphore_mem>>) src(%dma_wait3A_420 : memref<8192x1024xf32, #tpu.memory_space<hbm>>) dst(%arg6 : memref<16x1024xf32, #tpu.memory_space<vmem>>)
      %mul3A_421 = arith.constant 16 : i32
      %mul3A_422 = arith.muli %add3A_412, %mul3A_421 : i32
      %add3A_423 = arith.addi %mul3A_2, %mul3A_422 : i32
      %dma_start3A_424 = arith.constant 0 : i32
      %dma_start3A_425 = tpu.memref_slice %arg4[%add3A_423, %dma_start3A_424] : memref<32768x1024xf32, #tpu.memory_space<hbm>> -> memref<16x1024xf32, #tpu.memory_space<hbm>>
      %dma_start3A_426 = arith.constant 0 : i32
      %dma_start3A_427 = tpu.memref_slice %arg4[%add3A_423, %dma_start3A_426] : memref<32768x1024xf32, #tpu.memory_space<hbm>> -> memref<16x1024xf32, #tpu.memory_space<hbm>>
      tpu.enqueue_dma source(%arg6 : memref<16x1024xf32, #tpu.memory_space<vmem>>) target(%dma_start3A_427 : memref<16x1024xf32, #tpu.memory_space<hbm>>) target_semaphore(%arg18 : memref<!tpu.dma_semaphore, #tpu.memory_space<semaphore_mem>>)
      %sub3A_428 = arith.constant 3 : i32
      %sub3A_429 = arith.subi %add3A_412, %sub3A_428 : i32
      %mul3A_430 = arith.constant 16 : i32
      %mul3A_431 = arith.muli %sub3A_429, %mul3A_430 : i32
      %add3A_432 = arith.addi %mul3A_2, %mul3A_431 : i32
      %dma_wait3A_433 = arith.constant 0 : i32
      %dma_wait3A_434 = tpu.memref_slice %arg4[%add3A_432, %dma_wait3A_433] : memref<32768x1024xf32, #tpu.memory_space<hbm>> -> memref<16x1024xf32, #tpu.memory_space<hbm>>
      %dma_wait3A_435 = arith.constant 0 : i32
      %dma_wait3A_436 = tpu.memref_slice %arg4[%add3A_432, %dma_wait3A_435] : memref<32768x1024xf32, #tpu.memory_space<hbm>> -> memref<16x1024xf32, #tpu.memory_space<hbm>>
      tpu.wait_dma2 semaphore(%arg21 : memref<!tpu.dma_semaphore, #tpu.memory_space<semaphore_mem>>) src(%arg9 : memref<16x1024xf32, #tpu.memory_space<vmem>>) dst(%dma_wait3A_436 : memref<16x1024xf32, #tpu.memory_space<hbm>>)
      %add3A_437 = arith.constant 3 : i32
      %add3A_438 = arith.addi %add3A_412, %add3A_437 : i32
      %mul3A_439 = arith.constant 16 : i32
      %mul3A_440 = arith.muli %add3A_438, %mul3A_439 : i32
      %dma_start3A_441 = arith.constant 0 : i32
      %dma_start3A_442 = tpu.memref_slice %arg5[%dma_start3A_441, %mul3A_440] : memref<1x1024xi32, #tpu.memory_space<vmem>> -> memref<1x16xi32, #tpu.memory_space<vmem>>
      %dma_start3A_443 = tpu.memref_squeeze %dma_start3A_442 : memref<1x16xi32, #tpu.memory_space<vmem>> -> memref<16xi32, #tpu.memory_space<vmem>>
      %dma_start3A_444 = arith.constant 0 : i32
      %dma_start3A_445 = arith.constant 0 : i32
      %dma_start3A_446 = tpu.memref_slice %arg3[%dma_start3A_444, %dma_start3A_445] : memref<8192x1024xf32, #tpu.memory_space<hbm>> -> memref<8192x1024xf32, #tpu.memory_space<hbm>>
      tpu.enqueue_indirect_dma source(%dma_start3A_446 : memref<8192x1024xf32, #tpu.memory_space<hbm>>) target(%arg9 : memref<16x1024xf32, #tpu.memory_space<vmem>>) offsets(%dma_start3A_443 : memref<16xi32, #tpu.memory_space<vmem>>) semaphore(%arg15 : memref<!tpu.dma_semaphore, #tpu.memory_space<semaphore_mem>>)
      %add3A_447 = arith.constant 4 : i32
      %add3A_448 = arith.addi %add3A_302, %add3A_447 : i32
      %mul3A_449 = arith.constant 16 : i32
      %mul3A_450 = arith.muli %add3A_448, %mul3A_449 : i32
      %dma_wait3A_451 = arith.constant 0 : i32
      %dma_wait3A_452 = tpu.memref_slice %arg5[%dma_wait3A_451, %mul3A_450] : memref<1x1024xi32, #tpu.memory_space<vmem>> -> memref<1x16xi32, #tpu.memory_space<vmem>>
      %dma_wait3A_453 = tpu.memref_squeeze %dma_wait3A_452 : memref<1x16xi32, #tpu.memory_space<vmem>> -> memref<16xi32, #tpu.memory_space<vmem>>
      %dma_wait3A_454 = arith.constant 0 : i32
      %dma_wait3A_455 = arith.constant 0 : i32
      %dma_wait3A_456 = tpu.memref_slice %arg3[%dma_wait3A_454, %dma_wait3A_455] : memref<8192x1024xf32, #tpu.memory_space<hbm>> -> memref<8192x1024xf32, #tpu.memory_space<hbm>>
      tpu.wait_indirect_dma semaphore(%arg13 : memref<!tpu.dma_semaphore, #tpu.memory_space<semaphore_mem>>) src(%dma_wait3A_456 : memref<8192x1024xf32, #tpu.memory_space<hbm>>) dst(%arg7 : memref<16x1024xf32, #tpu.memory_space<vmem>>)
      %mul3A_457 = arith.constant 16 : i32
      %mul3A_458 = arith.muli %add3A_448, %mul3A_457 : i32
      %add3A_459 = arith.addi %mul3A_2, %mul3A_458 : i32
      %dma_start3A_460 = arith.constant 0 : i32
      %dma_start3A_461 = tpu.memref_slice %arg4[%add3A_459, %dma_start3A_460] : memref<32768x1024xf32, #tpu.memory_space<hbm>> -> memref<16x1024xf32, #tpu.memory_space<hbm>>
      %dma_start3A_462 = arith.constant 0 : i32
      %dma_start3A_463 = tpu.memref_slice %arg4[%add3A_459, %dma_start3A_462] : memref<32768x1024xf32, #tpu.memory_space<hbm>> -> memref<16x1024xf32, #tpu.memory_space<hbm>>
      tpu.enqueue_dma source(%arg7 : memref<16x1024xf32, #tpu.memory_space<vmem>>) target(%dma_start3A_463 : memref<16x1024xf32, #tpu.memory_space<hbm>>) target_semaphore(%arg19 : memref<!tpu.dma_semaphore, #tpu.memory_space<semaphore_mem>>)
      %sub3A_464 = arith.constant 3 : i32
      %sub3A_465 = arith.subi %add3A_448, %sub3A_464 : i32
      %mul3A_466 = arith.constant 16 : i32
      %mul3A_467 = arith.muli %sub3A_465, %mul3A_466 : i32
      %add3A_468 = arith.addi %mul3A_2, %mul3A_467 : i32
      %dma_wait3A_469 = arith.constant 0 : i32
      %dma_wait3A_470 = tpu.memref_slice %arg4[%add3A_468, %dma_wait3A_469] : memref<32768x1024xf32, #tpu.memory_space<hbm>> -> memref<16x1024xf32, #tpu.memory_space<hbm>>
      %dma_wait3A_471 = arith.constant 0 : i32
      %dma_wait3A_472 = tpu.memref_slice %arg4[%add3A_468, %dma_wait3A_471] : memref<32768x1024xf32, #tpu.memory_space<hbm>> -> memref<16x1024xf32, #tpu.memory_space<hbm>>
      tpu.wait_dma2 semaphore(%arg22 : memref<!tpu.dma_semaphore, #tpu.memory_space<semaphore_mem>>) src(%arg10 : memref<16x1024xf32, #tpu.memory_space<vmem>>) dst(%dma_wait3A_472 : memref<16x1024xf32, #tpu.memory_space<hbm>>)
      %add3A_473 = arith.constant 3 : i32
      %add3A_474 = arith.addi %add3A_448, %add3A_473 : i32
      %mul3A_475 = arith.constant 16 : i32
      %mul3A_476 = arith.muli %add3A_474, %mul3A_475 : i32
      %dma_start3A_477 = arith.constant 0 : i32
      %dma_start3A_478 = tpu.memref_slice %arg5[%dma_start3A_477, %mul3A_476] : memref<1x1024xi32, #tpu.memory_space<vmem>> -> memref<1x16xi32, #tpu.memory_space<vmem>>
      %dma_start3A_479 = tpu.memref_squeeze %dma_start3A_478 : memref<1x16xi32, #tpu.memory_space<vmem>> -> memref<16xi32, #tpu.memory_space<vmem>>
      %dma_start3A_480 = arith.constant 0 : i32
      %dma_start3A_481 = arith.constant 0 : i32
      %dma_start3A_482 = tpu.memref_slice %arg3[%dma_start3A_480, %dma_start3A_481] : memref<8192x1024xf32, #tpu.memory_space<hbm>> -> memref<8192x1024xf32, #tpu.memory_space<hbm>>
      tpu.enqueue_indirect_dma source(%dma_start3A_482 : memref<8192x1024xf32, #tpu.memory_space<hbm>>) target(%arg10 : memref<16x1024xf32, #tpu.memory_space<vmem>>) offsets(%dma_start3A_479 : memref<16xi32, #tpu.memory_space<vmem>>) semaphore(%arg16 : memref<!tpu.dma_semaphore, #tpu.memory_space<semaphore_mem>>)
      %add3A_483 = arith.constant 5 : i32
      %add3A_484 = arith.addi %add3A_302, %add3A_483 : i32
      %mul3A_485 = arith.constant 16 : i32
      %mul3A_486 = arith.muli %add3A_484, %mul3A_485 : i32
      %dma_wait3A_487 = arith.constant 0 : i32
      %dma_wait3A_488 = tpu.memref_slice %arg5[%dma_wait3A_487, %mul3A_486] : memref<1x1024xi32, #tpu.memory_space<vmem>> -> memref<1x16xi32, #tpu.memory_space<vmem>>
      %dma_wait3A_489 = tpu.memref_squeeze %dma_wait3A_488 : memref<1x16xi32, #tpu.memory_space<vmem>> -> memref<16xi32, #tpu.memory_space<vmem>>
      %dma_wait3A_490 = arith.constant 0 : i32
      %dma_wait3A_491 = arith.constant 0 : i32
      %dma_wait3A_492 = tpu.memref_slice %arg3[%dma_wait3A_490, %dma_wait3A_491] : memref<8192x1024xf32, #tpu.memory_space<hbm>> -> memref<8192x1024xf32, #tpu.memory_space<hbm>>
      tpu.wait_indirect_dma semaphore(%arg14 : memref<!tpu.dma_semaphore, #tpu.memory_space<semaphore_mem>>) src(%dma_wait3A_492 : memref<8192x1024xf32, #tpu.memory_space<hbm>>) dst(%arg8 : memref<16x1024xf32, #tpu.memory_space<vmem>>)
      %mul3A_493 = arith.constant 16 : i32
      %mul3A_494 = arith.muli %add3A_484, %mul3A_493 : i32
      %add3A_495 = arith.addi %mul3A_2, %mul3A_494 : i32
      %dma_start3A_496 = arith.constant 0 : i32
      %dma_start3A_497 = tpu.memref_slice %arg4[%add3A_495, %dma_start3A_496] : memref<32768x1024xf32, #tpu.memory_space<hbm>> -> memref<16x1024xf32, #tpu.memory_space<hbm>>
      %dma_start3A_498 = arith.constant 0 : i32
      %dma_start3A_499 = tpu.memref_slice %arg4[%add3A_495, %dma_start3A_498] : memref<32768x1024xf32, #tpu.memory_space<hbm>> -> memref<16x1024xf32, #tpu.memory_space<hbm>>
      tpu.enqueue_dma source(%arg8 : memref<16x1024xf32, #tpu.memory_space<vmem>>) target(%dma_start3A_499 : memref<16x1024xf32, #tpu.memory_space<hbm>>) target_semaphore(%arg20 : memref<!tpu.dma_semaphore, #tpu.memory_space<semaphore_mem>>)
      %sub3A_500 = arith.constant 3 : i32
      %sub3A_501 = arith.subi %add3A_484, %sub3A_500 : i32
      %mul3A_502 = arith.constant 16 : i32
      %mul3A_503 = arith.muli %sub3A_501, %mul3A_502 : i32
      %add3A_504 = arith.addi %mul3A_2, %mul3A_503 : i32
      %dma_wait3A_505 = arith.constant 0 : i32
      %dma_wait3A_506 = tpu.memref_slice %arg4[%add3A_504, %dma_wait3A_505] : memref<32768x1024xf32, #tpu.memory_space<hbm>> -> memref<16x1024xf32, #tpu.memory_space<hbm>>
      %dma_wait3A_507 = arith.constant 0 : i32
      %dma_wait3A_508 = tpu.memref_slice %arg4[%add3A_504, %dma_wait3A_507] : memref<32768x1024xf32, #tpu.memory_space<hbm>> -> memref<16x1024xf32, #tpu.memory_space<hbm>>
      tpu.wait_dma2 semaphore(%arg23 : memref<!tpu.dma_semaphore, #tpu.memory_space<semaphore_mem>>) src(%arg11 : memref<16x1024xf32, #tpu.memory_space<vmem>>) dst(%dma_wait3A_508 : memref<16x1024xf32, #tpu.memory_space<hbm>>)
      %add3A_509 = arith.constant 3 : i32
      %add3A_510 = arith.addi %add3A_484, %add3A_509 : i32
      %mul3A_511 = arith.constant 16 : i32
      %mul3A_512 = arith.muli %add3A_510, %mul3A_511 : i32
      %dma_start3A_513 = arith.constant 0 : i32
      %dma_start3A_514 = tpu.memref_slice %arg5[%dma_start3A_513, %mul3A_512] : memref<1x1024xi32, #tpu.memory_space<vmem>> -> memref<1x16xi32, #tpu.memory_space<vmem>>
      %dma_start3A_515 = tpu.memref_squeeze %dma_start3A_514 : memref<1x16xi32, #tpu.memory_space<vmem>> -> memref<16xi32, #tpu.memory_space<vmem>>
      %dma_start3A_516 = arith.constant 0 : i32
      %dma_start3A_517 = arith.constant 0 : i32
      %dma_start3A_518 = tpu.memref_slice %arg3[%dma_start3A_516, %dma_start3A_517] : memref<8192x1024xf32, #tpu.memory_space<hbm>> -> memref<8192x1024xf32, #tpu.memory_space<hbm>>
      tpu.enqueue_indirect_dma source(%dma_start3A_518 : memref<8192x1024xf32, #tpu.memory_space<hbm>>) target(%arg11 : memref<16x1024xf32, #tpu.memory_space<vmem>>) offsets(%dma_start3A_515 : memref<16xi32, #tpu.memory_space<vmem>>) semaphore(%arg17 : memref<!tpu.dma_semaphore, #tpu.memory_space<semaphore_mem>>)
    }
    %scan3A_118 = arith.constant 9 : i32
    %dma_wait3A_119 = arith.constant 0 : i32
    %dma_wait3A_120 = arith.constant 912 : i32
    %dma_wait3A_121 = tpu.memref_slice %arg5[%dma_wait3A_119, %dma_wait3A_120] : memref<1x1024xi32, #tpu.memory_space<vmem>> -> memref<1x16xi32, #tpu.memory_space<vmem>>
    %dma_wait3A_122 = tpu.memref_squeeze %dma_wait3A_121 : memref<1x16xi32, #tpu.memory_space<vmem>> -> memref<16xi32, #tpu.memory_space<vmem>>
    %dma_wait3A_123 = arith.constant 0 : i32
    %dma_wait3A_124 = arith.constant 0 : i32
    %dma_wait3A_125 = tpu.memref_slice %arg3[%dma_wait3A_123, %dma_wait3A_124] : memref<8192x1024xf32, #tpu.memory_space<hbm>> -> memref<8192x1024xf32, #tpu.memory_space<hbm>>
    tpu.wait_indirect_dma semaphore(%arg15 : memref<!tpu.dma_semaphore, #tpu.memory_space<semaphore_mem>>) src(%dma_wait3A_125 : memref<8192x1024xf32, #tpu.memory_space<hbm>>) dst(%arg9 : memref<16x1024xf32, #tpu.memory_space<vmem>>)
    %add3A_126 = arith.constant 912 : i32
    %add3A_127 = arith.addi %mul3A_2, %add3A_126 : i32
    %dma_start3A_128 = arith.constant 0 : i32
    %dma_start3A_129 = tpu.memref_slice %arg4[%add3A_127, %dma_start3A_128] : memref<32768x1024xf32, #tpu.memory_space<hbm>> -> memref<16x1024xf32, #tpu.memory_space<hbm>>
    %dma_start3A_130 = arith.constant 0 : i32
    %dma_start3A_131 = tpu.memref_slice %arg4[%add3A_127, %dma_start3A_130] : memref<32768x1024xf32, #tpu.memory_space<hbm>> -> memref<16x1024xf32, #tpu.memory_space<hbm>>
    tpu.enqueue_dma source(%arg9 : memref<16x1024xf32, #tpu.memory_space<vmem>>) target(%dma_start3A_131 : memref<16x1024xf32, #tpu.memory_space<hbm>>) target_semaphore(%arg21 : memref<!tpu.dma_semaphore, #tpu.memory_space<semaphore_mem>>)
    %add3A_132 = arith.constant 864 : i32
    %add3A_133 = arith.addi %mul3A_2, %add3A_132 : i32
    %dma_wait3A_134 = arith.constant 0 : i32
    %dma_wait3A_135 = tpu.memref_slice %arg4[%add3A_133, %dma_wait3A_134] : memref<32768x1024xf32, #tpu.memory_space<hbm>> -> memref<16x1024xf32, #tpu.memory_space<hbm>>
    %dma_wait3A_136 = arith.constant 0 : i32
    %dma_wait3A_137 = tpu.memref_slice %arg4[%add3A_133, %dma_wait3A_136] : memref<32768x1024xf32, #tpu.memory_space<hbm>> -> memref<16x1024xf32, #tpu.memory_space<hbm>>
    tpu.wait_dma2 semaphore(%arg18 : memref<!tpu.dma_semaphore, #tpu.memory_space<semaphore_mem>>) src(%arg6 : memref<16x1024xf32, #tpu.memory_space<vmem>>) dst(%dma_wait3A_137 : memref<16x1024xf32, #tpu.memory_space<hbm>>)
    %dma_start3A_138 = arith.constant 0 : i32
    %dma_start3A_139 = arith.constant 960 : i32
    %dma_start3A_140 = tpu.memref_slice %arg5[%dma_start3A_138, %dma_start3A_139] : memref<1x1024xi32, #tpu.memory_space<vmem>> -> memref<1x16xi32, #tpu.memory_space<vmem>>
    %dma_start3A_141 = tpu.memref_squeeze %dma_start3A_140 : memref<1x16xi32, #tpu.memory_space<vmem>> -> memref<16xi32, #tpu.memory_space<vmem>>
    %dma_start3A_142 = arith.constant 0 : i32
    %dma_start3A_143 = arith.constant 0 : i32
    %dma_start3A_144 = tpu.memref_slice %arg3[%dma_start3A_142, %dma_start3A_143] : memref<8192x1024xf32, #tpu.memory_space<hbm>> -> memref<8192x1024xf32, #tpu.memory_space<hbm>>
    tpu.enqueue_indirect_dma source(%dma_start3A_144 : memref<8192x1024xf32, #tpu.memory_space<hbm>>) target(%arg6 : memref<16x1024xf32, #tpu.memory_space<vmem>>) offsets(%dma_start3A_141 : memref<16xi32, #tpu.memory_space<vmem>>) semaphore(%arg12 : memref<!tpu.dma_semaphore, #tpu.memory_space<semaphore_mem>>)
    %dma_wait3A_145 = arith.constant 0 : i32
    %dma_wait3A_146 = arith.constant 928 : i32
    %dma_wait3A_147 = tpu.memref_slice %arg5[%dma_wait3A_145, %dma_wait3A_146] : memref<1x1024xi32, #tpu.memory_space<vmem>> -> memref<1x16xi32, #tpu.memory_space<vmem>>
    %dma_wait3A_148 = tpu.memref_squeeze %dma_wait3A_147 : memref<1x16xi32, #tpu.memory_space<vmem>> -> memref<16xi32, #tpu.memory_space<vmem>>
    %dma_wait3A_149 = arith.constant 0 : i32
    %dma_wait3A_150 = arith.constant 0 : i32
    %dma_wait3A_151 = tpu.memref_slice %arg3[%dma_wait3A_149, %dma_wait3A_150] : memref<8192x1024xf32, #tpu.memory_space<hbm>> -> memref<8192x1024xf32, #tpu.memory_space<hbm>>
    tpu.wait_indirect_dma semaphore(%arg16 : memref<!tpu.dma_semaphore, #tpu.memory_space<semaphore_mem>>) src(%dma_wait3A_151 : memref<8192x1024xf32, #tpu.memory_space<hbm>>) dst(%arg10 : memref<16x1024xf32, #tpu.memory_space<vmem>>)
    %add3A_152 = arith.constant 928 : i32
    %add3A_153 = arith.addi %mul3A_2, %add3A_152 : i32
    %dma_start3A_154 = arith.constant 0 : i32
    %dma_start3A_155 = tpu.memref_slice %arg4[%add3A_153, %dma_start3A_154] : memref<32768x1024xf32, #tpu.memory_space<hbm>> -> memref<16x1024xf32, #tpu.memory_space<hbm>>
    %dma_start3A_156 = arith.constant 0 : i32
    %dma_start3A_157 = tpu.memref_slice %arg4[%add3A_153, %dma_start3A_156] : memref<32768x1024xf32, #tpu.memory_space<hbm>> -> memref<16x1024xf32, #tpu.memory_space<hbm>>
    tpu.enqueue_dma source(%arg10 : memref<16x1024xf32, #tpu.memory_space<vmem>>) target(%dma_start3A_157 : memref<16x1024xf32, #tpu.memory_space<hbm>>) target_semaphore(%arg22 : memref<!tpu.dma_semaphore, #tpu.memory_space<semaphore_mem>>)
    %add3A_158 = arith.constant 880 : i32
    %add3A_159 = arith.addi %mul3A_2, %add3A_158 : i32
    %dma_wait3A_160 = arith.constant 0 : i32
    %dma_wait3A_161 = tpu.memref_slice %arg4[%add3A_159, %dma_wait3A_160] : memref<32768x1024xf32, #tpu.memory_space<hbm>> -> memref<16x1024xf32, #tpu.memory_space<hbm>>
    %dma_wait3A_162 = arith.constant 0 : i32
    %dma_wait3A_163 = tpu.memref_slice %arg4[%add3A_159, %dma_wait3A_162] : memref<32768x1024xf32, #tpu.memory_space<hbm>> -> memref<16x1024xf32, #tpu.memory_space<hbm>>
    tpu.wait_dma2 semaphore(%arg19 : memref<!tpu.dma_semaphore, #tpu.memory_space<semaphore_mem>>) src(%arg7 : memref<16x1024xf32, #tpu.memory_space<vmem>>) dst(%dma_wait3A_163 : memref<16x1024xf32, #tpu.memory_space<hbm>>)
    %dma_start3A_164 = arith.constant 0 : i32
    %dma_start3A_165 = arith.constant 976 : i32
    %dma_start3A_166 = tpu.memref_slice %arg5[%dma_start3A_164, %dma_start3A_165] : memref<1x1024xi32, #tpu.memory_space<vmem>> -> memref<1x16xi32, #tpu.memory_space<vmem>>
    %dma_start3A_167 = tpu.memref_squeeze %dma_start3A_166 : memref<1x16xi32, #tpu.memory_space<vmem>> -> memref<16xi32, #tpu.memory_space<vmem>>
    %dma_start3A_168 = arith.constant 0 : i32
    %dma_start3A_169 = arith.constant 0 : i32
    %dma_start3A_170 = tpu.memref_slice %arg3[%dma_start3A_168, %dma_start3A_169] : memref<8192x1024xf32, #tpu.memory_space<hbm>> -> memref<8192x1024xf32, #tpu.memory_space<hbm>>
    tpu.enqueue_indirect_dma source(%dma_start3A_170 : memref<8192x1024xf32, #tpu.memory_space<hbm>>) target(%arg7 : memref<16x1024xf32, #tpu.memory_space<vmem>>) offsets(%dma_start3A_167 : memref<16xi32, #tpu.memory_space<vmem>>) semaphore(%arg13 : memref<!tpu.dma_semaphore, #tpu.memory_space<semaphore_mem>>)
    %dma_wait3A_171 = arith.constant 0 : i32
    %dma_wait3A_172 = arith.constant 944 : i32
    %dma_wait3A_173 = tpu.memref_slice %arg5[%dma_wait3A_171, %dma_wait3A_172] : memref<1x1024xi32, #tpu.memory_space<vmem>> -> memref<1x16xi32, #tpu.memory_space<vmem>>
    %dma_wait3A_174 = tpu.memref_squeeze %dma_wait3A_173 : memref<1x16xi32, #tpu.memory_space<vmem>> -> memref<16xi32, #tpu.memory_space<vmem>>
    %dma_wait3A_175 = arith.constant 0 : i32
    %dma_wait3A_176 = arith.constant 0 : i32
    %dma_wait3A_177 = tpu.memref_slice %arg3[%dma_wait3A_175, %dma_wait3A_176] : memref<8192x1024xf32, #tpu.memory_space<hbm>> -> memref<8192x1024xf32, #tpu.memory_space<hbm>>
    tpu.wait_indirect_dma semaphore(%arg17 : memref<!tpu.dma_semaphore, #tpu.memory_space<semaphore_mem>>) src(%dma_wait3A_177 : memref<8192x1024xf32, #tpu.memory_space<hbm>>) dst(%arg11 : memref<16x1024xf32, #tpu.memory_space<vmem>>)
    %add3A_178 = arith.constant 944 : i32
    %add3A_179 = arith.addi %mul3A_2, %add3A_178 : i32
    %dma_start3A_180 = arith.constant 0 : i32
    %dma_start3A_181 = tpu.memref_slice %arg4[%add3A_179, %dma_start3A_180] : memref<32768x1024xf32, #tpu.memory_space<hbm>> -> memref<16x1024xf32, #tpu.memory_space<hbm>>
    %dma_start3A_182 = arith.constant 0 : i32
    %dma_start3A_183 = tpu.memref_slice %arg4[%add3A_179, %dma_start3A_182] : memref<32768x1024xf32, #tpu.memory_space<hbm>> -> memref<16x1024xf32, #tpu.memory_space<hbm>>
    tpu.enqueue_dma source(%arg11 : memref<16x1024xf32, #tpu.memory_space<vmem>>) target(%dma_start3A_183 : memref<16x1024xf32, #tpu.memory_space<hbm>>) target_semaphore(%arg23 : memref<!tpu.dma_semaphore, #tpu.memory_space<semaphore_mem>>)
    %add3A_184 = arith.constant 896 : i32
    %add3A_185 = arith.addi %mul3A_2, %add3A_184 : i32
    %dma_wait3A_186 = arith.constant 0 : i32
    %dma_wait3A_187 = tpu.memref_slice %arg4[%add3A_185, %dma_wait3A_186] : memref<32768x1024xf32, #tpu.memory_space<hbm>> -> memref<16x1024xf32, #tpu.memory_space<hbm>>
    %dma_wait3A_188 = arith.constant 0 : i32
    %dma_wait3A_189 = tpu.memref_slice %arg4[%add3A_185, %dma_wait3A_188] : memref<32768x1024xf32, #tpu.memory_space<hbm>> -> memref<16x1024xf32, #tpu.memory_space<hbm>>
    tpu.wait_dma2 semaphore(%arg20 : memref<!tpu.dma_semaphore, #tpu.memory_space<semaphore_mem>>) src(%arg8 : memref<16x1024xf32, #tpu.memory_space<vmem>>) dst(%dma_wait3A_189 : memref<16x1024xf32, #tpu.memory_space<hbm>>)
    %dma_start3A_190 = arith.constant 0 : i32
    %dma_start3A_191 = arith.constant 992 : i32
    %dma_start3A_192 = tpu.memref_slice %arg5[%dma_start3A_190, %dma_start3A_191] : memref<1x1024xi32, #tpu.memory_space<vmem>> -> memref<1x16xi32, #tpu.memory_space<vmem>>
    %dma_start3A_193 = tpu.memref_squeeze %dma_start3A_192 : memref<1x16xi32, #tpu.memory_space<vmem>> -> memref<16xi32, #tpu.memory_space<vmem>>
    %dma_start3A_194 = arith.constant 0 : i32
    %dma_start3A_195 = arith.constant 0 : i32
    %dma_start3A_196 = tpu.memref_slice %arg3[%dma_start3A_194, %dma_start3A_195] : memref<8192x1024xf32, #tpu.memory_space<hbm>> -> memref<8192x1024xf32, #tpu.memory_space<hbm>>
    tpu.enqueue_indirect_dma source(%dma_start3A_196 : memref<8192x1024xf32, #tpu.memory_space<hbm>>) target(%arg8 : memref<16x1024xf32, #tpu.memory_space<vmem>>) offsets(%dma_start3A_193 : memref<16xi32, #tpu.memory_space<vmem>>) semaphore(%arg14 : memref<!tpu.dma_semaphore, #tpu.memory_space<semaphore_mem>>)
    %dma_wait3A_197 = arith.constant 0 : i32
    %dma_wait3A_198 = arith.constant 960 : i32
    %dma_wait3A_199 = tpu.memref_slice %arg5[%dma_wait3A_197, %dma_wait3A_198] : memref<1x1024xi32, #tpu.memory_space<vmem>> -> memref<1x16xi32, #tpu.memory_space<vmem>>
    %dma_wait3A_200 = tpu.memref_squeeze %dma_wait3A_199 : memref<1x16xi32, #tpu.memory_space<vmem>> -> memref<16xi32, #tpu.memory_space<vmem>>
    %dma_wait3A_201 = arith.constant 0 : i32
    %dma_wait3A_202 = arith.constant 0 : i32
    %dma_wait3A_203 = tpu.memref_slice %arg3[%dma_wait3A_201, %dma_wait3A_202] : memref<8192x1024xf32, #tpu.memory_space<hbm>> -> memref<8192x1024xf32, #tpu.memory_space<hbm>>
    tpu.wait_indirect_dma semaphore(%arg12 : memref<!tpu.dma_semaphore, #tpu.memory_space<semaphore_mem>>) src(%dma_wait3A_203 : memref<8192x1024xf32, #tpu.memory_space<hbm>>) dst(%arg6 : memref<16x1024xf32, #tpu.memory_space<vmem>>)
    %add3A_204 = arith.constant 960 : i32
    %add3A_205 = arith.addi %mul3A_2, %add3A_204 : i32
    %dma_start3A_206 = arith.constant 0 : i32
    %dma_start3A_207 = tpu.memref_slice %arg4[%add3A_205, %dma_start3A_206] : memref<32768x1024xf32, #tpu.memory_space<hbm>> -> memref<16x1024xf32, #tpu.memory_space<hbm>>
    %dma_start3A_208 = arith.constant 0 : i32
    %dma_start3A_209 = tpu.memref_slice %arg4[%add3A_205, %dma_start3A_208] : memref<32768x1024xf32, #tpu.memory_space<hbm>> -> memref<16x1024xf32, #tpu.memory_space<hbm>>
    tpu.enqueue_dma source(%arg6 : memref<16x1024xf32, #tpu.memory_space<vmem>>) target(%dma_start3A_209 : memref<16x1024xf32, #tpu.memory_space<hbm>>) target_semaphore(%arg18 : memref<!tpu.dma_semaphore, #tpu.memory_space<semaphore_mem>>)
    %add3A_210 = arith.constant 912 : i32
    %add3A_211 = arith.addi %mul3A_2, %add3A_210 : i32
    %dma_wait3A_212 = arith.constant 0 : i32
    %dma_wait3A_213 = tpu.memref_slice %arg4[%add3A_211, %dma_wait3A_212] : memref<32768x1024xf32, #tpu.memory_space<hbm>> -> memref<16x1024xf32, #tpu.memory_space<hbm>>
    %dma_wait3A_214 = arith.constant 0 : i32
    %dma_wait3A_215 = tpu.memref_slice %arg4[%add3A_211, %dma_wait3A_214] : memref<32768x1024xf32, #tpu.memory_space<hbm>> -> memref<16x1024xf32, #tpu.memory_space<hbm>>
    tpu.wait_dma2 semaphore(%arg21 : memref<!tpu.dma_semaphore, #tpu.memory_space<semaphore_mem>>) src(%arg9 : memref<16x1024xf32, #tpu.memory_space<vmem>>) dst(%dma_wait3A_215 : memref<16x1024xf32, #tpu.memory_space<hbm>>)
    %dma_start3A_216 = arith.constant 0 : i32
    %dma_start3A_217 = arith.constant 1008 : i32
    %dma_start3A_218 = tpu.memref_slice %arg5[%dma_start3A_216, %dma_start3A_217] : memref<1x1024xi32, #tpu.memory_space<vmem>> -> memref<1x16xi32, #tpu.memory_space<vmem>>
    %dma_start3A_219 = tpu.memref_squeeze %dma_start3A_218 : memref<1x16xi32, #tpu.memory_space<vmem>> -> memref<16xi32, #tpu.memory_space<vmem>>
    %dma_start3A_220 = arith.constant 0 : i32
    %dma_start3A_221 = arith.constant 0 : i32
    %dma_start3A_222 = tpu.memref_slice %arg3[%dma_start3A_220, %dma_start3A_221] : memref<8192x1024xf32, #tpu.memory_space<hbm>> -> memref<8192x1024xf32, #tpu.memory_space<hbm>>
    tpu.enqueue_indirect_dma source(%dma_start3A_222 : memref<8192x1024xf32, #tpu.memory_space<hbm>>) target(%arg9 : memref<16x1024xf32, #tpu.memory_space<vmem>>) offsets(%dma_start3A_219 : memref<16xi32, #tpu.memory_space<vmem>>) semaphore(%arg15 : memref<!tpu.dma_semaphore, #tpu.memory_space<semaphore_mem>>)
    %dma_wait3A_223 = arith.constant 0 : i32
    %dma_wait3A_224 = arith.constant 976 : i32
    %dma_wait3A_225 = tpu.memref_slice %arg5[%dma_wait3A_223, %dma_wait3A_224] : memref<1x1024xi32, #tpu.memory_space<vmem>> -> memref<1x16xi32, #tpu.memory_space<vmem>>
    %dma_wait3A_226 = tpu.memref_squeeze %dma_wait3A_225 : memref<1x16xi32, #tpu.memory_space<vmem>> -> memref<16xi32, #tpu.memory_space<vmem>>
    %dma_wait3A_227 = arith.constant 0 : i32
    %dma_wait3A_228 = arith.constant 0 : i32
    %dma_wait3A_229 = tpu.memref_slice %arg3[%dma_wait3A_227, %dma_wait3A_228] : memref<8192x1024xf32, #tpu.memory_space<hbm>> -> memref<8192x1024xf32, #tpu.memory_space<hbm>>
    tpu.wait_indirect_dma semaphore(%arg13 : memref<!tpu.dma_semaphore, #tpu.memory_space<semaphore_mem>>) src(%dma_wait3A_229 : memref<8192x1024xf32, #tpu.memory_space<hbm>>) dst(%arg7 : memref<16x1024xf32, #tpu.memory_space<vmem>>)
    %add3A_230 = arith.constant 976 : i32
    %add3A_231 = arith.addi %mul3A_2, %add3A_230 : i32
    %dma_start3A_232 = arith.constant 0 : i32
    %dma_start3A_233 = tpu.memref_slice %arg4[%add3A_231, %dma_start3A_232] : memref<32768x1024xf32, #tpu.memory_space<hbm>> -> memref<16x1024xf32, #tpu.memory_space<hbm>>
    %dma_start3A_234 = arith.constant 0 : i32
    %dma_start3A_235 = tpu.memref_slice %arg4[%add3A_231, %dma_start3A_234] : memref<32768x1024xf32, #tpu.memory_space<hbm>> -> memref<16x1024xf32, #tpu.memory_space<hbm>>
    tpu.enqueue_dma source(%arg7 : memref<16x1024xf32, #tpu.memory_space<vmem>>) target(%dma_start3A_235 : memref<16x1024xf32, #tpu.memory_space<hbm>>) target_semaphore(%arg19 : memref<!tpu.dma_semaphore, #tpu.memory_space<semaphore_mem>>)
    %add3A_236 = arith.constant 928 : i32
    %add3A_237 = arith.addi %mul3A_2, %add3A_236 : i32
    %dma_wait3A_238 = arith.constant 0 : i32
    %dma_wait3A_239 = tpu.memref_slice %arg4[%add3A_237, %dma_wait3A_238] : memref<32768x1024xf32, #tpu.memory_space<hbm>> -> memref<16x1024xf32, #tpu.memory_space<hbm>>
    %dma_wait3A_240 = arith.constant 0 : i32
    %dma_wait3A_241 = tpu.memref_slice %arg4[%add3A_237, %dma_wait3A_240] : memref<32768x1024xf32, #tpu.memory_space<hbm>> -> memref<16x1024xf32, #tpu.memory_space<hbm>>
    tpu.wait_dma2 semaphore(%arg22 : memref<!tpu.dma_semaphore, #tpu.memory_space<semaphore_mem>>) src(%arg10 : memref<16x1024xf32, #tpu.memory_space<vmem>>) dst(%dma_wait3A_241 : memref<16x1024xf32, #tpu.memory_space<hbm>>)
    %dma_wait3A_242 = arith.constant 0 : i32
    %dma_wait3A_243 = arith.constant 992 : i32
    %dma_wait3A_244 = tpu.memref_slice %arg5[%dma_wait3A_242, %dma_wait3A_243] : memref<1x1024xi32, #tpu.memory_space<vmem>> -> memref<1x16xi32, #tpu.memory_space<vmem>>
    %dma_wait3A_245 = tpu.memref_squeeze %dma_wait3A_244 : memref<1x16xi32, #tpu.memory_space<vmem>> -> memref<16xi32, #tpu.memory_space<vmem>>
    %dma_wait3A_246 = arith.constant 0 : i32
    %dma_wait3A_247 = arith.constant 0 : i32
    %dma_wait3A_248 = tpu.memref_slice %arg3[%dma_wait3A_246, %dma_wait3A_247] : memref<8192x1024xf32, #tpu.memory_space<hbm>> -> memref<8192x1024xf32, #tpu.memory_space<hbm>>
    tpu.wait_indirect_dma semaphore(%arg14 : memref<!tpu.dma_semaphore, #tpu.memory_space<semaphore_mem>>) src(%dma_wait3A_248 : memref<8192x1024xf32, #tpu.memory_space<hbm>>) dst(%arg8 : memref<16x1024xf32, #tpu.memory_space<vmem>>)
    %add3A_249 = arith.constant 992 : i32
    %add3A_250 = arith.addi %mul3A_2, %add3A_249 : i32
    %dma_start3A_251 = arith.constant 0 : i32
    %dma_start3A_252 = tpu.memref_slice %arg4[%add3A_250, %dma_start3A_251] : memref<32768x1024xf32, #tpu.memory_space<hbm>> -> memref<16x1024xf32, #tpu.memory_space<hbm>>
    %dma_start3A_253 = arith.constant 0 : i32
    %dma_start3A_254 = tpu.memref_slice %arg4[%add3A_250, %dma_start3A_253] : memref<32768x1024xf32, #tpu.memory_space<hbm>> -> memref<16x1024xf32, #tpu.memory_space<hbm>>
    tpu.enqueue_dma source(%arg8 : memref<16x1024xf32, #tpu.memory_space<vmem>>) target(%dma_start3A_254 : memref<16x1024xf32, #tpu.memory_space<hbm>>) target_semaphore(%arg20 : memref<!tpu.dma_semaphore, #tpu.memory_space<semaphore_mem>>)
    %add3A_255 = arith.constant 944 : i32
    %add3A_256 = arith.addi %mul3A_2, %add3A_255 : i32
    %dma_wait3A_257 = arith.constant 0 : i32
    %dma_wait3A_258 = tpu.memref_slice %arg4[%add3A_256, %dma_wait3A_257] : memref<32768x1024xf32, #tpu.memory_space<hbm>> -> memref<16x1024xf32, #tpu.memory_space<hbm>>
    %dma_wait3A_259 = arith.constant 0 : i32
    %dma_wait3A_260 = tpu.memref_slice %arg4[%add3A_256, %dma_wait3A_259] : memref<32768x1024xf32, #tpu.memory_space<hbm>> -> memref<16x1024xf32, #tpu.memory_space<hbm>>
    tpu.wait_dma2 semaphore(%arg23 : memref<!tpu.dma_semaphore, #tpu.memory_space<semaphore_mem>>) src(%arg11 : memref<16x1024xf32, #tpu.memory_space<vmem>>) dst(%dma_wait3A_260 : memref<16x1024xf32, #tpu.memory_space<hbm>>)
    %dma_wait3A_261 = arith.constant 0 : i32
    %dma_wait3A_262 = arith.constant 1008 : i32
    %dma_wait3A_263 = tpu.memref_slice %arg5[%dma_wait3A_261, %dma_wait3A_262] : memref<1x1024xi32, #tpu.memory_space<vmem>> -> memref<1x16xi32, #tpu.memory_space<vmem>>
    %dma_wait3A_264 = tpu.memref_squeeze %dma_wait3A_263 : memref<1x16xi32, #tpu.memory_space<vmem>> -> memref<16xi32, #tpu.memory_space<vmem>>
    %dma_wait3A_265 = arith.constant 0 : i32
    %dma_wait3A_266 = arith.constant 0 : i32
    %dma_wait3A_267 = tpu.memref_slice %arg3[%dma_wait3A_265, %dma_wait3A_266] : memref<8192x1024xf32, #tpu.memory_space<hbm>> -> memref<8192x1024xf32, #tpu.memory_space<hbm>>
    tpu.wait_indirect_dma semaphore(%arg15 : memref<!tpu.dma_semaphore, #tpu.memory_space<semaphore_mem>>) src(%dma_wait3A_267 : memref<8192x1024xf32, #tpu.memory_space<hbm>>) dst(%arg9 : memref<16x1024xf32, #tpu.memory_space<vmem>>)
    %add3A_268 = arith.constant 1008 : i32
    %add3A_269 = arith.addi %mul3A_2, %add3A_268 : i32
    %dma_start3A_270 = arith.constant 0 : i32
    %dma_start3A_271 = tpu.memref_slice %arg4[%add3A_269, %dma_start3A_270] : memref<32768x1024xf32, #tpu.memory_space<hbm>> -> memref<16x1024xf32, #tpu.memory_space<hbm>>
    %dma_start3A_272 = arith.constant 0 : i32
    %dma_start3A_273 = tpu.memref_slice %arg4[%add3A_269, %dma_start3A_272] : memref<32768x1024xf32, #tpu.memory_space<hbm>> -> memref<16x1024xf32, #tpu.memory_space<hbm>>
    tpu.enqueue_dma source(%arg9 : memref<16x1024xf32, #tpu.memory_space<vmem>>) target(%dma_start3A_273 : memref<16x1024xf32, #tpu.memory_space<hbm>>) target_semaphore(%arg21 : memref<!tpu.dma_semaphore, #tpu.memory_space<semaphore_mem>>)
    %add3A_274 = arith.constant 960 : i32
    %add3A_275 = arith.addi %mul3A_2, %add3A_274 : i32
    %dma_wait3A_276 = arith.constant 0 : i32
    %dma_wait3A_277 = tpu.memref_slice %arg4[%add3A_275, %dma_wait3A_276] : memref<32768x1024xf32, #tpu.memory_space<hbm>> -> memref<16x1024xf32, #tpu.memory_space<hbm>>
    %dma_wait3A_278 = arith.constant 0 : i32
    %dma_wait3A_279 = tpu.memref_slice %arg4[%add3A_275, %dma_wait3A_278] : memref<32768x1024xf32, #tpu.memory_space<hbm>> -> memref<16x1024xf32, #tpu.memory_space<hbm>>
    tpu.wait_dma2 semaphore(%arg18 : memref<!tpu.dma_semaphore, #tpu.memory_space<semaphore_mem>>) src(%arg6 : memref<16x1024xf32, #tpu.memory_space<vmem>>) dst(%dma_wait3A_279 : memref<16x1024xf32, #tpu.memory_space<hbm>>)
    %add3A_280 = arith.constant 976 : i32
    %add3A_281 = arith.addi %mul3A_2, %add3A_280 : i32
    %dma_wait3A_282 = arith.constant 0 : i32
    %dma_wait3A_283 = tpu.memref_slice %arg4[%add3A_281, %dma_wait3A_282] : memref<32768x1024xf32, #tpu.memory_space<hbm>> -> memref<16x1024xf32, #tpu.memory_space<hbm>>
    %dma_wait3A_284 = arith.constant 0 : i32
    %dma_wait3A_285 = tpu.memref_slice %arg4[%add3A_281, %dma_wait3A_284] : memref<32768x1024xf32, #tpu.memory_space<hbm>> -> memref<16x1024xf32, #tpu.memory_space<hbm>>
    tpu.wait_dma2 semaphore(%arg19 : memref<!tpu.dma_semaphore, #tpu.memory_space<semaphore_mem>>) src(%arg7 : memref<16x1024xf32, #tpu.memory_space<vmem>>) dst(%dma_wait3A_285 : memref<16x1024xf32, #tpu.memory_space<hbm>>)
    %add3A_286 = arith.constant 992 : i32
    %add3A_287 = arith.addi %mul3A_2, %add3A_286 : i32
    %dma_wait3A_288 = arith.constant 0 : i32
    %dma_wait3A_289 = tpu.memref_slice %arg4[%add3A_287, %dma_wait3A_288] : memref<32768x1024xf32, #tpu.memory_space<hbm>> -> memref<16x1024xf32, #tpu.memory_space<hbm>>
    %dma_wait3A_290 = arith.constant 0 : i32
    %dma_wait3A_291 = tpu.memref_slice %arg4[%add3A_287, %dma_wait3A_290] : memref<32768x1024xf32, #tpu.memory_space<hbm>> -> memref<16x1024xf32, #tpu.memory_space<hbm>>
    tpu.wait_dma2 semaphore(%arg20 : memref<!tpu.dma_semaphore, #tpu.memory_space<semaphore_mem>>) src(%arg8 : memref<16x1024xf32, #tpu.memory_space<vmem>>) dst(%dma_wait3A_291 : memref<16x1024xf32, #tpu.memory_space<hbm>>)
    %add3A_292 = arith.constant 1008 : i32
    %add3A_293 = arith.addi %mul3A_2, %add3A_292 : i32
    %dma_wait3A_294 = arith.constant 0 : i32
    %dma_wait3A_295 = tpu.memref_slice %arg4[%add3A_293, %dma_wait3A_294] : memref<32768x1024xf32, #tpu.memory_space<hbm>> -> memref<16x1024xf32, #tpu.memory_space<hbm>>
    %dma_wait3A_296 = arith.constant 0 : i32
    %dma_wait3A_297 = tpu.memref_slice %arg4[%add3A_293, %dma_wait3A_296] : memref<32768x1024xf32, #tpu.memory_space<hbm>> -> memref<16x1024xf32, #tpu.memory_space<hbm>>
    tpu.wait_dma2 semaphore(%arg21 : memref<!tpu.dma_semaphore, #tpu.memory_space<semaphore_mem>>) src(%arg9 : memref<16x1024xf32, #tpu.memory_space<vmem>>) dst(%dma_wait3A_297 : memref<16x1024xf32, #tpu.memory_space<hbm>>)
    return
  }
}

</mosaic_0001>

<sc_bundles>
// kernel: kernel.3.cloned.1.call-start
scs
__scs_entry_jumppad:
0x0: {  	(pc) =	sbr.rel $0x88, $3  }
0x1: {  	(tag) =	ssettag $0x0;
	lr =	simm.s32 $0x1  }
0x2: {  	[smem:$0x3F9F] =	sst lr;
	_ =	strace $0xD0000000  }
0x3: {  	_ = 	snop  }
0x4: {  	_ = 	snop  }
0x5: {  	_ = 	snop  }
0x6: {  	_ = 	snop  }
0x7: {  	_ = 	snop  }
__scs_overlays_trampoline_lowered:
0x8: {  	[smem:$0x3FAE] =	sst s0  }
0x9: {  	[smem:$0x3FAF] =	sst s1  }
0xa: {  	[smem:$0x3FB0] =	sst s2  }
0xb: {  	[smem:$0x3FB1] =	sst s3  }
0xc: {  	[smem:$0x3FB2] =	sst s4  }
0xd: {  	[smem:$0x3FB3] =	sst s5  }
0xe: {  	[smem:$0x3FB4] =	sst s6  }
0xf: {  	[smem:$0x3FB5] =	sst s7  }
0x10: {  	[smem:$0x3FB6] =	sst s8  }
0x11: {  	[smem:$0x3FB7] =	sst s9;
	s0 =	simm.s32 @!p0 $0x0  }
0x12: {  	s1 =	sld [smem:$0x3F9D];
	s0 =	simm.s32 @p0 $0x1  }
0x13: {  	[smem:$0x3FB8] =	sst s0;
	s0 =	simm.s32 @!p1 $0x0  }
0x14: {  	s2 =	sld [smem:$0x3F9C];
	s0 =	simm.s32 @p1 $0x1  }
0x15: {  	[smem:$0x3FB9] =	sst s0;
	s0 =	simm.s32 @!p2 $0x0  }
0x16: {  	s3 =	sld [smem:$0x3FDB];
	s0 =	simm.s32 @p2 $0x1  }
0x17: {  	s4 =	simm.s32 $0x1BF5;
	[smem:$0x3FBB] =	sst s0  }
0x18: {  	s0 =	sld [smem:$0x3F9E];
	_ =	swait.ge [sflag:s4], $0x0  }
0x19: {  	s7 =	sld [smem:$0x3F9F]  }
0x1a: {  	s8 =	sadd.s32 $0xFFFFE003, lr  }
0x1b: {  	s9 =	sadd.s32 $0xFFFFFEF7, lr;
	s5 =	simm.s32 $0xFFFFFFFF;
	p2 =	slt.u32 s8, $0xFFFFF086  }
0x1c: {  	p1 =	slt.u32 s9, $0xF7A;
	s5 =	simm.s32 @!p2 $0x0  }
0x1d: {  	s5 =	simm.s32 @p1 $0x1;
	p0 =	seq.s32 s7, s2  }
0x1e: {  	s7 =	smul.u32 @!p0 $0xF7A, s2;
	p2 =	seq.s32 @!p0 s5, $0x0  }
0x1f: {  	s9 =	smul.u32 $0xF7A, s1;
	s8 =	simm.s32 @!p0 $0x1BF5;
	p2 =	por !p2, p0  }
0x20: {  	[sflag:s8] =	ssyncset.s32 @!p0 $0xFFFFF086;
	s6 =	sadd.s32 @!p0 s3, s7;
	s7 =	simm.s32 @!p0 $0x108  }
0x21: {  	s3 =	sadd.s32 s3, s9;
	s6 =	sadd.s32 @!p0 $0x88, s6;
	s7 =	simm.s32 @p2 $0x1082  }
0x22: {  	[simem:s7], [sflag:s8] =	dma.local @!p0 [hbm:s6], $0xF7A  }
0x23: {  	s9 =	sor.u32 $0xD0000000, s2;
	s6 =	simm.s32 $0x108;
	_ =	swait.ge @!p0 [sflag:s8], $0x0  }
0x24: {  	s3 =	sadd.s32 $0x88, s3;
	s6 =	simm.s32 @!p1 $0x1082;
	[sflag:s4] =	ssyncset.s32 $0xFFFFF086  }
0x25: {  	[simem:s6], [sflag:s4] =	dma.local [hbm:s3], $0xF7A  }
0x26: {  	[smem:$0x3F9F] =	sst s1;
	(tag) =	ssettag s2;
	_ =	strace s9  }
0x27: {  	s1 =	sld [smem:$0x3FAF]  }
0x28: {  	s2 =	sld [smem:$0x3FB0]  }
0x29: {  	s4 =	sld [smem:$0x3FB2]  }
0x2a: {  	p0 =	seq.s32 s5, $0x0;
	s5 =	sld [smem:$0x3FB3]  }
0x2b: {  	s6 =	sld [smem:$0x3FB4]  }
0x2c: {  	s7 =	sld [smem:$0x3FB5]  }
0x2d: {  	s3 =	simm.s32 $0x108;
	s8 =	sld [smem:$0x3FB6]  }
0x2e: {  	s3 =	simm.s32 @!p0 $0x1082;
	s9 =	sld [smem:$0x3FB7]  }
0x2f: {  	lr =	sadd.s32 s0, s3;
	s0 =	sld [smem:$0x3FAE]  }
0x30: {  	s3 =	sld [smem:$0x3FB1]  }
0x31: {  	[smem:$0x3FBA] =	sst s10  }
0x32: {  	s10 =	sld [smem:$0x3FB8];
	_ =	sdelay $0x3  }
0x33: {  	p0 =	seq.s32 s10, $0x1;
	s10 =	sld [smem:$0x3FBA];
	_ =	sdelay $0x3  }
0x34: {  	[smem:$0x3FBA] =	sst s10  }
0x35: {  	s10 =	sld [smem:$0x3FB9];
	_ =	sdelay $0x3  }
0x36: {  	p1 =	seq.s32 s10, $0x1;
	s10 =	sld [smem:$0x3FBA];
	_ =	sdelay $0x3  }
0x37: {  	[smem:$0x3FBA] =	sst s10  }
0x38: {  	s10 =	sld [smem:$0x3FBB]  }
0x39: {  	_ = 	snop;
	(pc) =	sbr.ind lr, $3  }
0x3a: {  	_ = 	snop  }
0x3b: {  	_ = 	snop  }
0x3c: {  	p2 =	seq.s32 s10, $0x1;
	s10 =	sld [smem:$0x3FBA]  }
0x3d: {  	_ =	shalt  }
0x3e: {  	_ =	shalt  }
0x3f: {  	_ =	shalt  }
0x40: {  	_ =	shalt  }
0x41: {  	_ =	shalt  }
0x42: {  	_ =	shalt  }
0x43: {  	_ =	shalt  }
0x44: {  	_ =	shalt  }
0x45: {  	_ =	shalt  }
0x46: {  	_ =	shalt  }
0x47: {  	_ =	shalt  }
0x48: {  	_ =	shalt  }
0x49: {  	_ =	shalt  }
0x4a: {  	_ =	shalt  }
0x4b: {  	_ =	shalt  }
0x4c: {  	_ =	shalt  }
0x4d: {  	_ =	shalt  }
0x4e: {  	_ =	shalt  }
0x4f: {  	_ =	shalt  }
0x50: {  	_ =	shalt  }
0x51: {  	_ =	shalt  }
0x52: {  	_ =	shalt  }
0x53: {  	_ =	shalt  }
0x54: {  	_ =	shalt  }
0x55: {  	_ =	shalt  }
0x56: {  	_ =	shalt  }
0x57: {  	_ =	shalt  }
0x58: {  	_ =	shalt  }
0x59: {  	_ =	shalt  }
0x5a: {  	_ =	shalt  }
0x5b: {  	_ =	shalt  }
0x5c: {  	_ =	shalt  }
0x5d: {  	_ =	shalt  }
0x5e: {  	_ =	shalt  }
0x5f: {  	_ =	shalt  }
0x60: {  	_ =	shalt  }
0x61: {  	_ =	shalt  }
0x62: {  	_ =	shalt  }
0x63: {  	_ =	shalt  }
0x64: {  	_ =	shalt  }
0x65: {  	_ =	shalt  }
0x66: {  	_ =	shalt  }
0x67: {  	_ =	shalt  }
0x68: {  	_ =	shalt  }
0x69: {  	_ =	shalt  }
0x6a: {  	_ =	shalt  }
0x6b: {  	_ =	shalt  }
0x6c: {  	_ =	shalt  }
0x6d: {  	_ =	shalt  }
0x6e: {  	_ =	shalt  }
0x6f: {  	_ =	shalt  }
0x70: {  	_ =	shalt  }
0x71: {  	_ =	shalt  }
0x72: {  	_ =	shalt  }
0x73: {  	_ =	shalt  }
0x74: {  	_ =	shalt  }
0x75: {  	_ =	shalt  }
0x76: {  	_ =	shalt  }
0x77: {  	_ =	shalt  }
0x78: {  	_ =	shalt  }
0x79: {  	_ =	shalt  }
0x7a: {  	_ =	shalt  }
0x7b: {  	_ =	shalt  }
0x7c: {  	_ =	shalt  }
0x7d: {  	_ =	shalt  }
0x7e: {  	_ =	shalt  }
0x7f: {  	_ =	shalt  }
0x80: {  	_ =	shalt  }
0x81: {  	_ =	shalt  }
0x82: {  	_ =	shalt  }
0x83: {  	_ =	shalt  }
0x84: {  	_ =	shalt  }
0x85: {  	_ =	shalt  }
0x86: {  	_ =	shalt  }
0x87: {  	_ =	shalt  }
.Lfunc_end0:
.L_simem_size_0:
called_computation_lowered:
.L_overlay_start_0:
0x88: {  	s2 =	sld [smem:$0x3FD9]  }
0x89: {  	s3 =	sld [smem:$0x3FFE];
	_ =	sdelay $0x1  }
0x8a: {  	s1 =	srdreg.scid  }
0x8b: {  	s0 =	sand.u32 $0x1, s1  }
0x8c: {  	s18 =	sshll.u32 s0, $0xA;
	s2 =	sadd.s32 s3, s2  }
0x8d: {  	s2 =	sadd.s32 s2, s18  }
0x8e: {  	[smem:$0x3FC6] =	sst s2  }
0x8f: {  	_ = 	snop  }
0x90: {  	s2 =	sld [smem:$0x3FC9]  }
0x91: {  	s19 =	sld [smem:$0x3FC8]  }
0x92: {  	s4 =	sld [smem:$0x3FD0];
	(tm) =	ssettm $0x1  }
0x93: {  	s5 =	sld [smem:$0x3FFB];
	_ =	sdelay $0x3  }
0x94: {  	_ =	strace s5  }
0x95: {  	s5 =	sld [smem:$0x3FFC];
	_ =	sdelay $0x3  }
0x96: {  	_ =	strace s5  }
0x97: {  	s5 =	sld [smem:$0x3FFD];
	_ =	sdelay $0x3  }
0x98: {  	_ =	strace s5  }
0x99: {  	_ =	strace $0x8FFFFFFF  }
0x9a: {  	s20 =	sld [smem:$0x3FDB];
	_ =	sdelay $0x1  }
0x9b: {  	s6 =	simm.s32 $_scs_section_size  }
0x9c: {  	s7 =	simm.s32 $_size__tile_overlayer_lowered;
	s8 =	simm.s32 $_tile_overlayer_lowered  }
0x9d: {  	s23 =	simm.s32 $0x1BFF;
	s22 =	sshll.u32 s8, $0x1;
	s5 =	sadd.s32 s6, s20  }
0x9e: {  	s9 =	simm.s32 $0x0;
	s21 =	sshll.u32 s7, $0x1;
	s7 =	sadd.s32 s22, s5  }
0x9f: {  	[timem:s9], [sflag:s23] =	dma.local [hbm:s7], s21  }
0xa0: {  	_ =	swait.ge [sflag:s23], s21  }
0xa1: {  	s6 =	ssub.s32 $0x0, s21;
	[sflag:s23] =	ssyncset.done $0x0  }
0xa2: {  	[sflag:s23] =	ssyncadd.s32 s6;
	_ =	sdelay $0x1  }
0xa3: {  	s24 =	simm.s32 $0x1B8B  }
0xa4: {  	_ =	swait.ge [sflag:s24], $0x1  }
0xa5: {  	[sflag:s24] =	ssyncset.done $0x0  }
0xa6: {  	s25 =	simm.s32 $0x1B8E;
	[sflag:s24] =	ssyncadd.s32 $0xFFFFFFFF  }
0xa7: {  	s26 =	simm.s32 $execute0_lowered;
	[smem:$0x3FD2] =	sst s25  }
0xa8: {  	s6 =	sshll.u32 s26, $0x1;
	_ =	strace $0x80000046;
	[dreg:$0x1] =	wrdreg $0xFFFFFFFF  }
0xa9: {  	s28 =	simm.s32 $_size_execute0_lowered;
	s5 =	sadd.s32 s5, s6;
	[dreg:$0x0] =	wrdreg $0x0  }
0xaa: {  	s6 =	sshll.u32 s28, $0x1;
	[dreg:$0x2] =	wrdreg s5  }
0xab: {  	[dreg:$0x3] =	wrdreg s6  }
0xac: {  	[dreg:$0x4] =	wrdreg $0xC0  }
0xad: {  	_ =	task [dreg:s9], $0x5FFFF  }
0xae: {  	[dreg:$0x1] =	wrdreg $0xFFFFFFFF  }
0xaf: {  	[dreg:$0x0] =	wrdreg $0x60  }
0xb0: {  	[dreg:$0x2] =	wrdreg s2  }
0xb1: {  	[dreg:$0x3] =	wrdreg s19  }
0xb2: {  	[dreg:$0x4] =	wrdreg s4  }
0xb3: {  	[dreg:$0x5] =	wrdreg $0x9  }
0xb4: {  	_ =	task.clear_ibuf [dreg:s9], $0x6FFFF;
	_ =	strace $0x90000046  }
0xb5: {  	s29 =	simm.s32 $0x9;
	_ =	strace $0x80000048  }
0xb6: {  	_ =	swait.ge [sflag:s29], $0x1  }
0xb7: {  	[sflag:s29] =	ssyncadd.s32 $0xFFFFFFFF  }
0xb8: {  	_ =	strace $0x90000048  }
0xb9: {  	_ =	sfence  }
0xba: {  	s30 =	sld [smem:$0x0];
	_ =	sdelay $0x2  }
0xbb: {  	s31 =	sshll.u32 s1, $0xD;
	s1 =	sshrl.u32 s1, $0x2  }
0xbc: {  	s3 =	sand.u32 $0x4000, s31;
	s1 =	sadd.s32 s1, s30  }
0xbd: {  	s0 =	sor.u32 s3, s0;
	s1 =	sshll.u32 s1, $0x11  }
0xbe: {  	s0 =	sor.u32 s1, s0  }
0xbf: {  	s0 =	sadd.s32 $0x8F2B, s0  }
0xc0: {  	[sflag:s0] =	ssyncadd.remote.s32 $0x1  }
0xc1: {  	_ =	sfence.sel $0xFFFF  }
0xc2: {  	[dreg:$0x0] =	wrdreg $0xFFFFFFFF;
	(pc) =	sbr.abs _section_cstart, $3  }
0xc3: {  	[dreg:$0x1] =	wrdreg $0xFFFFFFFF  }
0xc4: {  	_ =	task.clear_ibuf [dreg:s9], $0x2FFFF;
	_ =	strace $0x9FFFFFFF  }
0xc5: {  	(tm) =	ssettm $0x7FFFFFFF  }
tec
execute0_lowered:
.L_overlay_start_1:
0x0: {  	(tag) =	ssettag $0x1  }
0x1: {  	s0 =	rddreg [dreg:$0x0]  }
0x2: {  	s1 =	rddreg [dreg:$0x1]  }
0x3: {  	s2 =	rddreg [dreg:$0x2]  }
0x4: {  	s3 =	simm.s32 $0x0;
	s4 =	srdreg.scid;
	s10 =	stileid.u32  }
0x5: {  	s28 =	simm.s32 $0xC400;
	s31 =	simm.s32 $0x2;
	s11 =	simm.s32 $0x10400  }
0x6: {  	s30 =	simm.s32 $0x12400;
	s29 =	simm.s32 $0x13C00;
	[smem:$0x7FF] =	sst s3  }
0x7: {  	s4 =	sand.u32 $0x1, s4;
	s5 =	sshll.u32 s10, $0x1;
	s12 =	sshll.u32 s10, $0x2  }
0x8: {  	s20 =	sshll.u32 s10, $0x12;
	s10 =	simm.s32 $0x4;
	_ =	strace $0x80000047  }
0x9: {  	s6 =	ssub.s32 $0x2, s4;
	s7 =	sor.u32 s4, s5;
	s5 =	sand.u32 $0x30, s12  }
0xa: {  	s22 =	sshll.u32 s4, $0x11;
	s9 =	sshll.u32 s7, $0x9;
	s14 =	sshll.u32 s7, $0x11  }
0xb: {  	s0 =	sadd.s32 s0, s5;
	s13 =	sand.u32 $0xE00, s9;
	s15 =	sadd.s32 s2, s14  }
0xc: {  	s12 =	simm.s32 $0x7;
	s0 =	sadd.s32 s13, s0;
	[dreg:$0x6] =	wrdreg s15  }
0xd: {  	s8 =	sshrl.u32 s6, $0x1;
	s16 =	sadd.s32 $0x1000, s15;
	[dreg:$0x5] =	wrdreg s0  }
0xe: {  	s5 =	sadd.s32 $0x100, s1;
	s17 =	sadd.s32 $0x1C800, s15;
	[dreg:$0x8] =	wrdreg s16  }
0xf: {  	s7 =	sadd.s32 $0x300, s1;
	s18 =	sadd.s32 $0x1D000, s15;
	[dreg:$0x9] =	wrdreg s17  }
0x10: {  	s8 =	ssub.s32 s6, s8;
	s19 =	sadd.s32 $0x1D800, s15;
	[dreg:$0xa] =	wrdreg s18  }
0x11: {  	s6 =	sadd.s32 $0x200, s1;
	s21 =	sadd.s32 $0x1E000, s15;
	[dreg:$0xb] =	wrdreg s19  }
0x12: {  	s9 =	simm.s32 $0x11400;
	s23 =	sadd.s32 $0x1E800, s15;
	[dreg:$0xc] =	wrdreg s21  }
0x13: {  	s14 =	simm.s32 $0x3;
	s24 =	sadd.s32 $0x1F000, s15;
	[dreg:$0xd] =	wrdreg s23  }
0x14: {  	s25 =	sadd.s32 $0x1F800, s15;
	s26 =	smax.u32 s8, $0x1;
	[dreg:$0xe] =	wrdreg s24  }
0x15: {  	s8 =	simm.s32 $0x1;
	s13 =	simm.s32 $0x8;
	[dreg:$0xf] =	wrdreg s25  }
0x16: {  	s0 =	sadd.s32 $0x800, s15;
	[dreg:$0x10] =	wrdreg s26;
	s18 =	simm.s32 $0x10C00  }
0x17: {  	s19 =	simm.s32 $0x11C00;
	s15 =	simm.s32 $0x13400;
	s23 =	simm.s32 $0x6  }
0x18: {  	s24 =	simm.s32 $0x9;
	s25 =	simm.s32 $0xA;
	s26 =	simm.s32 $0xC  }
0x19: {  	v2 =	vlaneseq.u32;
	s16 =	simm.s32 $0x0;
	[dreg:$0x7] =	wrdreg s0;
	s0 =	sadd.s32 s20, s2  }
0x1a: {  	vm0 =	vmmov $0xffff;
	v1 =	vshrl.u32 v2, $0x3;
	s20 =	simm.s32 $0x14400;
	s2 =	simm.s32 $0xB;
	s0 =	sadd.s32 s22, s0  }
0x1b: {  	v0 =	vand.u32 $0x7, v2;
	v2 =	vor.u32 $0x8, v2;
	v1 =	vmul.u32 $0x8, v1;
	s22 =	simm.s32 $0x5;
	[dreg:$0x4] =	wrdreg s0;
	s0 =	simm.s32 $0x12C00  }
.LBB2_1:
0x1c: {  	[dreg:$0x11] =	wrdreg s16  }
0x1d: {  	s16 =	simm.s32 $0x80;
	s4 =	rddreg [dreg:$0x5];
	s17 =	simm.s32 $0x200  }
0x1e: {  	[tilespmem:s3], [sflag:$0xD] =	stream.strided.gather [hbm4b:s4+s16], $0x400, s17, s16, $0x38;
	[tilespmem:$0x18400] =	vst v63  }
0x1f: {  	s17 =	simm.s32 $0xD  }
0x20: {  	_ =	swait.ge [sflag:s17], $0x400  }
0x21: {  	[sflag:s17] =	ssyncset.done $0x0  }
0x22: {  	[sflag:s17] =	ssyncadd.s32 $0xFFFFFC00  }
0x23: {  	v3 =	vld [tilespmem:$0x0];
	_ =	sdelay $0x4  }
0x24: {  	v4 =	vshll.u32 v3, $0x3  }
0x25: {  	v3 =	vand.u32 $0x7, v3;
	v4 =	vand.u32 $0xFFFFFFC0, v4  }
0x26: {  	v3 =	vor.u32 v3, v4  }
0x27: {  	v4 =	vperm.xlane v3, v0;
	_ =	sdelay $0x1  }
0x28: {  	v4 =	vadd.s32 v1, v4;
	_ =	sdelay $0x3  }
0x29: {  	s17 =	simm.s32 $0x400  }
0x2a: {  	[tilespmem:s17], [sflag:$0x1] =	stream.indirect_vreg.gather [hbm4b:s1+s3], $0x80, v4, vm0, $0xb8;
	[tilespmem:$0x18400] =	vst v63  }
0x2b: {  	s21 =	simm.s32 $0xC00;
	v3 =	vperm.xlane v3, v2  }
0x2c: {  	[tilespmem:s21], [sflag:$0x1] =	stream.indirect_vreg.gather [hbm4b:s5+s3], $0x80, v4, vm0, $0xb8;
	[tilespmem:$0x18400] =	vst v63  }
0x2d: {  	v3 =	vadd.s32 v1, v3;
	s21 =	simm.s32 $0x1400  }
0x2e: {  	[tilespmem:s21], [sflag:$0x1] =	stream.indirect_vreg.gather [hbm4b:s6+s3], $0x80, v4, vm0, $0xb8;
	[tilespmem:$0x18400] =	vst v63  }
0x2f: {  	s21 =	simm.s32 $0x1C00  }
0x30: {  	[tilespmem:s21], [sflag:$0x1] =	stream.indirect_vreg.gather [hbm4b:s7+s3], $0x80, v4, vm0, $0xb8;
	[tilespmem:$0x18400] =	vst v63  }
0x31: {  	s21 =	simm.s32 $0x2400  }
0x32: {  	[tilespmem:s21], [sflag:$0x1] =	stream.indirect_vreg.gather [hbm4b:s1+s3], $0x80, v3, vm0, $0xb8;
	[tilespmem:$0x18400] =	vst v63  }
0x33: {  	s21 =	simm.s32 $0x2C00  }
0x34: {  	[tilespmem:s21], [sflag:$0x1] =	stream.indirect_vreg.gather [hbm4b:s5+s3], $0x80, v3, vm0, $0xb8;
	[tilespmem:$0x18400] =	vst v63  }
0x35: {  	s21 =	simm.s32 $0x3400  }
0x36: {  	[tilespmem:s21], [sflag:$0x1] =	stream.indirect_vreg.gather [hbm4b:s6+s3], $0x80, v3, vm0, $0xb8;
	[tilespmem:$0x18400] =	vst v63  }
0x37: {  	s21 =	simm.s32 $0x3C00  }
0x38: {  	[tilespmem:s21], [sflag:$0x1] =	stream.indirect_vreg.gather [hbm4b:s7+s3], $0x80, v3, vm0, $0xb8;
	[tilespmem:$0x18400] =	vst v63  }
0x39: {  	v3 =	vld [tilespmem:$0x10];
	_ =	sdelay $0x4  }
0x3a: {  	v59 =	vshll.u32 v3, $0x3  }
0x3b: {  	v3 =	vand.u32 $0x7, v3;
	v4 =	vand.u32 $0xFFFFFFC0, v59  }
0x3c: {  	v3 =	vor.u32 v3, v4  }
0x3d: {  	v4 =	vperm.xlane v3, v0;
	_ =	sdelay $0x1  }
0x3e: {  	v4 =	vadd.s32 v1, v4;
	_ =	sdelay $0x3  }
0x3f: {  	s21 =	simm.s32 $0x4400  }
0x40: {  	[tilespmem:s21], [sflag:$0x2] =	stream.indirect_vreg.gather [hbm4b:s1+s3], $0x80, v4, vm0, $0xb8;
	[tilespmem:$0x18400] =	vst v63  }
0x41: {  	s4 =	simm.s32 $0x4C00;
	v3 =	vperm.xlane v3, v2  }
0x42: {  	[tilespmem:s4], [sflag:$0x2] =	stream.indirect_vreg.gather [hbm4b:s5+s3], $0x80, v4, vm0, $0xb8;
	[tilespmem:$0x18400] =	vst v63  }
0x43: {  	v3 =	vadd.s32 v1, v3;
	s4 =	simm.s32 $0x5400  }
0x44: {  	[tilespmem:s4], [sflag:$0x2] =	stream.indirect_vreg.gather [hbm4b:s6+s3], $0x80, v4, vm0, $0xb8;
	[tilespmem:$0x18400] =	vst v63  }
0x45: {  	s4 =	simm.s32 $0x5C00  }
0x46: {  	[tilespmem:s4], [sflag:$0x2] =	stream.indirect_vreg.gather [hbm4b:s7+s3], $0x80, v4, vm0, $0xb8;
	[tilespmem:$0x18400] =	vst v63  }
0x47: {  	s4 =	simm.s32 $0x6400  }
0x48: {  	[tilespmem:s4], [sflag:$0x2] =	stream.indirect_vreg.gather [hbm4b:s1+s3], $0x80, v3, vm0, $0xb8;
	[tilespmem:$0x18400] =	vst v63  }
0x49: {  	s4 =	simm.s32 $0x6C00  }
0x4a: {  	[tilespmem:s4], [sflag:$0x2] =	stream.indirect_vreg.gather [hbm4b:s5+s3], $0x80, v3, vm0, $0xb8;
	[tilespmem:$0x18400] =	vst v63  }
0x4b: {  	s4 =	simm.s32 $0x7400  }
0x4c: {  	[tilespmem:s4], [sflag:$0x2] =	stream.indirect_vreg.gather [hbm4b:s6+s3], $0x80, v3, vm0, $0xb8;
	[tilespmem:$0x18400] =	vst v63  }
0x4d: {  	s4 =	simm.s32 $0x7C00  }
0x4e: {  	[tilespmem:s4], [sflag:$0x2] =	stream.indirect_vreg.gather [hbm4b:s7+s3], $0x80, v3, vm0, $0xb8;
	[tilespmem:$0x18400] =	vst v63  }
0x4f: {  	v3 =	vld [tilespmem:$0x20];
	_ =	sdelay $0x4  }
0x50: {  	v60 =	vshll.u32 v3, $0x3  }
0x51: {  	v3 =	vand.u32 $0x7, v3;
	v4 =	vand.u32 $0xFFFFFFC0, v60  }
0x52: {  	v3 =	vor.u32 v3, v4  }
0x53: {  	v4 =	vperm.xlane v3, v0;
	_ =	sdelay $0x1  }
0x54: {  	v4 =	vadd.s32 v1, v4;
	_ =	sdelay $0x3  }
0x55: {  	s4 =	simm.s32 $0x8400  }
0x56: {  	[tilespmem:s4], [sflag:$0x3] =	stream.indirect_vreg.gather [hbm4b:s1+s3], $0x80, v4, vm0, $0xb8;
	[tilespmem:$0x18400] =	vst v63  }
0x57: {  	v3 =	vperm.xlane v3, v2;
	s4 =	simm.s32 $0x8C00  }
0x58: {  	[tilespmem:s4], [sflag:$0x3] =	stream.indirect_vreg.gather [hbm4b:s5+s3], $0x80, v4, vm0, $0xb8;
	[tilespmem:$0x18400] =	vst v63  }
0x59: {  	v3 =	vadd.s32 v1, v3;
	s4 =	simm.s32 $0x9400  }
0x5a: {  	[tilespmem:s4], [sflag:$0x3] =	stream.indirect_vreg.gather [hbm4b:s6+s3], $0x80, v4, vm0, $0xb8;
	[tilespmem:$0x18400] =	vst v63  }
0x5b: {  	s4 =	simm.s32 $0x9C00  }
0x5c: {  	[tilespmem:s4], [sflag:$0x3] =	stream.indirect_vreg.gather [hbm4b:s7+s3], $0x80, v4, vm0, $0xb8;
	[tilespmem:$0x18400] =	vst v63  }
0x5d: {  	s4 =	simm.s32 $0xA400  }
0x5e: {  	[tilespmem:s4], [sflag:$0x3] =	stream.indirect_vreg.gather [hbm4b:s1+s3], $0x80, v3, vm0, $0xb8;
	[tilespmem:$0x18400] =	vst v63  }
0x5f: {  	s4 =	simm.s32 $0xAC00  }
0x60: {  	[tilespmem:s4], [sflag:$0x3] =	stream.indirect_vreg.gather [hbm4b:s5+s3], $0x80, v3, vm0, $0xb8;
	[tilespmem:$0x18400] =	vst v63  }
0x61: {  	s4 =	simm.s32 $0xB400  }
0x62: {  	[tilespmem:s4], [sflag:$0x3] =	stream.indirect_vreg.gather [hbm4b:s6+s3], $0x80, v3, vm0, $0xb8;
	[tilespmem:$0x18400] =	vst v63  }
0x63: {  	s4 =	simm.s32 $0xBC00  }
0x64: {  	[tilespmem:s4], [sflag:$0x3] =	stream.indirect_vreg.gather [hbm4b:s7+s3], $0x80, v3, vm0, $0xb8;
	[tilespmem:$0x18400] =	vst v63  }
0x65: {  	_ =	swait.ge [sflag:s8], $0x4000  }
0x66: {  	[sflag:s8] =	ssyncset.done $0x0  }
0x67: {  	s4 =	rddreg [dreg:$0x6];
	[sflag:s8] =	ssyncadd.s32 $0xFFFFC000  }
0x68: {  	[hbm4b:s4+s3] =	stream.linear.scatter [tilespmem:s17], [sflag:$0x7], $0x4000, $0x38;
	[tilespmem:$0x18400] =	vst v63  }
0x69: {  	v3 =	vld [tilespmem:$0x30];
	_ =	sdelay $0x4  }
0x6a: {  	v61 =	vshll.u32 v3, $0x3  }
0x6b: {  	v3 =	vand.u32 $0x7, v3;
	v4 =	vand.u32 $0xFFFFFFC0, v61  }
0x6c: {  	v3 =	vor.u32 v3, v4  }
0x6d: {  	v4 =	vperm.xlane v3, v0;
	_ =	sdelay $0x1  }
0x6e: {  	v4 =	vadd.s32 v1, v4;
	_ =	sdelay $0x4  }
0x6f: {  	[tilespmem:s28], [sflag:$0x4] =	stream.indirect_vreg.gather [hbm4b:s1+s3], $0x80, v4, vm0, $0xb8;
	[tilespmem:$0x18400] =	vst v63  }
0x70: {  	s17 =	simm.s32 $0xCC00;
	v3 =	vperm.xlane v3, v2  }
0x71: {  	[tilespmem:s17], [sflag:$0x4] =	stream.indirect_vreg.gather [hbm4b:s5+s3], $0x80, v4, vm0, $0xb8;
	[tilespmem:$0x18400] =	vst v63  }
0x72: {  	v3 =	vadd.s32 v1, v3;
	s17 =	simm.s32 $0xD400  }
0x73: {  	[tilespmem:s17], [sflag:$0x4] =	stream.indirect_vreg.gather [hbm4b:s6+s3], $0x80, v4, vm0, $0xb8;
	[tilespmem:$0x18400] =	vst v63  }
0x74: {  	s17 =	simm.s32 $0xDC00  }
0x75: {  	[tilespmem:s17], [sflag:$0x4] =	stream.indirect_vreg.gather [hbm4b:s7+s3], $0x80, v4, vm0, $0xb8;
	[tilespmem:$0x18400] =	vst v63  }
0x76: {  	s17 =	simm.s32 $0xE400  }
0x77: {  	[tilespmem:s17], [sflag:$0x4] =	stream.indirect_vreg.gather [hbm4b:s1+s3], $0x80, v3, vm0, $0xb8;
	[tilespmem:$0x18400] =	vst v63  }
0x78: {  	s17 =	simm.s32 $0xEC00  }
0x79: {  	[tilespmem:s17], [sflag:$0x4] =	stream.indirect_vreg.gather [hbm4b:s5+s3], $0x80, v3, vm0, $0xb8;
	[tilespmem:$0x18400] =	vst v63  }
0x7a: {  	s17 =	simm.s32 $0xF400  }
0x7b: {  	[tilespmem:s17], [sflag:$0x4] =	stream.indirect_vreg.gather [hbm4b:s6+s3], $0x80, v3, vm0, $0xb8;
	[tilespmem:$0x18400] =	vst v63  }
0x7c: {  	s17 =	simm.s32 $0xFC00  }
0x7d: {  	[tilespmem:s17], [sflag:$0x4] =	stream.indirect_vreg.gather [hbm4b:s7+s3], $0x80, v3, vm0, $0xb8;
	[tilespmem:$0x18400] =	vst v63  }
0x7e: {  	_ =	swait.ge [sflag:s31], $0x4000  }
0x7f: {  	[sflag:s31] =	ssyncset.done $0x0  }
0x80: {  	s17 =	rddreg [dreg:$0x7];
	[sflag:s31] =	ssyncadd.s32 $0xFFFFC000  }
0x81: {  	[hbm4b:s17+s3] =	stream.linear.scatter [tilespmem:s21], [sflag:$0x8], $0x4000, $0x38;
	[tilespmem:$0x18400] =	vst v63  }
0x82: {  	v3 =	vld [tilespmem:$0x40];
	_ =	sdelay $0x4  }
0x83: {  	v62 =	vshll.u32 v3, $0x3  }
0x84: {  	v3 =	vand.u32 $0x7, v3;
	v4 =	vand.u32 $0xFFFFFFC0, v62  }
0x85: {  	v3 =	vor.u32 v3, v4  }
0x86: {  	v4 =	vperm.xlane v3, v0;
	_ =	sdelay $0x1  }
0x87: {  	v4 =	vadd.s32 v1, v4;
	_ =	sdelay $0x4  }
0x88: {  	[tilespmem:s11], [sflag:$0x5] =	stream.indirect_vreg.gather [hbm4b:s1+s3], $0x80, v4, vm0, $0xb8;
	[tilespmem:$0x18400] =	vst v63  }
0x89: {  	v3 =	vperm.xlane v3, v2  }
0x8a: {  	[tilespmem:s18], [sflag:$0x5] =	stream.indirect_vreg.gather [hbm4b:s5+s3], $0x80, v4, vm0, $0xb8;
	[tilespmem:$0x18400] =	vst v63  }
0x8b: {  	v3 =	vadd.s32 v1, v3  }
0x8c: {  	[tilespmem:s9], [sflag:$0x5] =	stream.indirect_vreg.gather [hbm4b:s6+s3], $0x80, v4, vm0, $0xb8;
	[tilespmem:$0x18400] =	vst v63  }
0x8d: {  	_ = 	snop  }
0x8e: {  	[tilespmem:s19], [sflag:$0x5] =	stream.indirect_vreg.gather [hbm4b:s7+s3], $0x80, v4, vm0, $0xb8;
	[tilespmem:$0x18400] =	vst v63  }
0x8f: {  	_ = 	snop  }
0x90: {  	[tilespmem:s30], [sflag:$0x5] =	stream.indirect_vreg.gather [hbm4b:s1+s3], $0x80, v3, vm0, $0xb8;
	[tilespmem:$0x18400] =	vst v63  }
0x91: {  	_ = 	snop  }
0x92: {  	[tilespmem:s0], [sflag:$0x5] =	stream.indirect_vreg.gather [hbm4b:s5+s3], $0x80, v3, vm0, $0xb8;
	[tilespmem:$0x18400] =	vst v63  }
0x93: {  	_ = 	snop  }
0x94: {  	[tilespmem:s15], [sflag:$0x5] =	stream.indirect_vreg.gather [hbm4b:s6+s3], $0x80, v3, vm0, $0xb8;
	[tilespmem:$0x18400] =	vst v63  }
0x95: {  	_ = 	snop  }
0x96: {  	[tilespmem:s29], [sflag:$0x5] =	stream.indirect_vreg.gather [hbm4b:s7+s3], $0x80, v3, vm0, $0xb8;
	[tilespmem:$0x18400] =	vst v63  }
0x97: {  	_ =	swait.ge [sflag:s14], $0x4000  }
0x98: {  	[sflag:s14] =	ssyncset.done $0x0  }
0x99: {  	s17 =	simm.s32 $0x8400;
	s15 =	rddreg [dreg:$0x8];
	[sflag:s14] =	ssyncadd.s32 $0xFFFFC000  }
0x9a: {  	[hbm4b:s15+s3] =	stream.linear.scatter [tilespmem:s17], [sflag:$0x9], $0x4000, $0x38;
	[tilespmem:$0x18400] =	vst v63  }
0x9b: {  	v3 =	vld [tilespmem:$0x50];
	_ =	sdelay $0x4  }
0x9c: {  	v63 =	vshll.u32 v3, $0x3  }
0x9d: {  	v3 =	vand.u32 $0x7, v3;
	v4 =	vand.u32 $0xFFFFFFC0, v63  }
0x9e: {  	v3 =	vor.u32 v3, v4  }
0x9f: {  	v4 =	vperm.xlane v3, v0;
	_ =	sdelay $0x1  }
0xa0: {  	v4 =	vadd.s32 v1, v4;
	_ =	sdelay $0x4  }
0xa1: {  	[tilespmem:s20], [sflag:$0x6] =	stream.indirect_vreg.gather [hbm4b:s1+s3], $0x80, v4, vm0, $0xb8;
	[tilespmem:$0x18400] =	vst v63  }
0xa2: {  	s18 =	simm.s32 $0x14C00;
	v3 =	vperm.xlane v3, v2  }
0xa3: {  	[tilespmem:s18], [sflag:$0x6] =	stream.indirect_vreg.gather [hbm4b:s5+s3], $0x80, v4, vm0, $0xb8;
	[tilespmem:$0x18400] =	vst v63  }
0xa4: {  	s19 =	simm.s32 $0x15400;
	v3 =	vadd.s32 v1, v3  }
0xa5: {  	[tilespmem:s19], [sflag:$0x6] =	stream.indirect_vreg.gather [hbm4b:s6+s3], $0x80, v4, vm0, $0xb8;
	[tilespmem:$0x18400] =	vst v63  }
0xa6: {  	s20 =	simm.s32 $0x15C00  }
0xa7: {  	[tilespmem:s20], [sflag:$0x6] =	stream.indirect_vreg.gather [hbm4b:s7+s3], $0x80, v4, vm0, $0xb8;
	[tilespmem:$0x18400] =	vst v63  }
0xa8: {  	s21 =	simm.s32 $0x16400  }
0xa9: {  	[tilespmem:s21], [sflag:$0x6] =	stream.indirect_vreg.gather [hbm4b:s1+s3], $0x80, v3, vm0, $0xb8;
	[tilespmem:$0x18400] =	vst v63  }
0xaa: {  	s30 =	simm.s32 $0x16C00  }
0xab: {  	[tilespmem:s30], [sflag:$0x6] =	stream.indirect_vreg.gather [hbm4b:s5+s3], $0x80, v3, vm0, $0xb8;
	[tilespmem:$0x18400] =	vst v63  }
0xac: {  	s28 =	simm.s32 $0xB0;
	s9 =	simm.s32 $0x17400  }
0xad: {  	[tilespmem:s9], [sflag:$0x6] =	stream.indirect_vreg.gather [hbm4b:s6+s3], $0x80, v3, vm0, $0xb8;
	[tilespmem:$0x18400] =	vst v63  }
0xae: {  	s29 =	simm.s32 $0x0;
	s18 =	simm.s32 $0x17C00;
	s21 =	simm.s32 $0x11C00  }
0xaf: {  	[tilespmem:s18], [sflag:$0x6] =	stream.indirect_vreg.gather [hbm4b:s7+s3], $0x80, v3, vm0, $0xb8;
	[tilespmem:$0x18400] =	vst v63  }
.LBB2_2:
0xb0: {  	_ =	swait.ge [sflag:s10], $0x4000  }
0xb1: {  	s19 =	rddreg [dreg:$0x4]  }
0xb2: {  	[sflag:s10] =	ssyncset.done $0x0;
	s19 =	sadd.s32 s29, s19  }
0xb3: {  	s15 =	simm.s32 $0xC400;
	[sflag:s10] =	ssyncadd.s32 $0xFFFFC000;
	s17 =	sadd.s32 $0x1800, s19  }
0xb4: {  	[hbm4b:s17+s3] =	stream.linear.scatter [tilespmem:s15], [sflag:$0xA], $0x4000, $0x38;
	[tilespmem:$0x18400] =	vst v63  }
0xb5: {  	_ =	swait.ge [sflag:s12], $0x4000  }
0xb6: {  	[sflag:s12] =	ssyncset.done $0x0  }
0xb7: {  	[sflag:s12] =	ssyncadd.s32 $0xFFFFC000  }
0xb8: {  	v3 =	vld [tilespmem:s28+$0xFFFFFFB0];
	_ =	sdelay $0x4  }
0xb9: {  	v4 =	vshll.u32 v3, $0x3  }
0xba: {  	v3 =	vand.u32 $0x7, v3;
	v4 =	vand.u32 $0xFFFFFFC0, v4  }
0xbb: {  	v3 =	vor.u32 v3, v4  }
0xbc: {  	v4 =	vperm.xlane v3, v0;
	_ =	sdelay $0x1  }
0xbd: {  	v4 =	vadd.s32 v1, v4;
	_ =	sdelay $0x3  }
0xbe: {  	s30 =	simm.s32 $0x400  }
0xbf: {  	[tilespmem:s30], [sflag:$0x1] =	stream.indirect_vreg.gather [hbm4b:s1+s3], $0x80, v4, vm0, $0xb8;
	[tilespmem:$0x18400] =	vst v63  }
0xc0: {  	s4 =	simm.s32 $0xC00;
	v3 =	vperm.xlane v3, v2  }
0xc1: {  	[tilespmem:s4], [sflag:$0x1] =	stream.indirect_vreg.gather [hbm4b:s5+s3], $0x80, v4, vm0, $0xb8;
	[tilespmem:$0x18400] =	vst v63  }
0xc2: {  	s20 =	simm.s32 $0x1400;
	v3 =	vadd.s32 v1, v3  }
0xc3: {  	[tilespmem:s20], [sflag:$0x1] =	stream.indirect_vreg.gather [hbm4b:s6+s3], $0x80, v4, vm0, $0xb8;
	[tilespmem:$0x18400] =	vst v63  }
0xc4: {  	s0 =	simm.s32 $0x1C00  }
0xc5: {  	[tilespmem:s0], [sflag:$0x1] =	stream.indirect_vreg.gather [hbm4b:s7+s3], $0x80, v4, vm0, $0xb8;
	[tilespmem:$0x18400] =	vst v63  }
0xc6: {  	s11 =	simm.s32 $0x2400  }
0xc7: {  	[tilespmem:s11], [sflag:$0x1] =	stream.indirect_vreg.gather [hbm4b:s1+s3], $0x80, v3, vm0, $0xb8;
	[tilespmem:$0x18400] =	vst v63  }
0xc8: {  	s17 =	simm.s32 $0x2C00  }
0xc9: {  	[tilespmem:s17], [sflag:$0x1] =	stream.indirect_vreg.gather [hbm4b:s5+s3], $0x80, v3, vm0, $0xb8;
	[tilespmem:$0x18400] =	vst v63  }
0xca: {  	s20 =	simm.s32 $0x3400  }
0xcb: {  	[tilespmem:s20], [sflag:$0x1] =	stream.indirect_vreg.gather [hbm4b:s6+s3], $0x80, v3, vm0, $0xb8;
	[tilespmem:$0x18400] =	vst v63  }
0xcc: {  	s0 =	simm.s32 $0x3C00  }
0xcd: {  	[tilespmem:s0], [sflag:$0x1] =	stream.indirect_vreg.gather [hbm4b:s7+s3], $0x80, v3, vm0, $0xb8;
	[tilespmem:$0x18400] =	vst v63  }
0xce: {  	_ =	swait.ge [sflag:s22], $0x4000  }
0xcf: {  	[sflag:s22] =	ssyncset.done $0x0  }
0xd0: {  	s11 =	sadd.s32 $0x2000, s19;
	s20 =	simm.s32 $0x10400;
	[sflag:s22] =	ssyncadd.s32 $0xFFFFC000  }
0xd1: {  	[hbm4b:s11+s3] =	stream.linear.scatter [tilespmem:s20], [sflag:$0xB], $0x4000, $0x38;
	[tilespmem:$0x18400] =	vst v63  }
0xd2: {  	_ =	swait.ge [sflag:s13], $0x4000  }
0xd3: {  	[sflag:s13] =	ssyncset.done $0x0  }
0xd4: {  	[sflag:s13] =	ssyncadd.s32 $0xFFFFC000  }
0xd5: {  	v3 =	vld [tilespmem:s28+$0xFFFFFFC0];
	_ =	sdelay $0x4  }
0xd6: {  	v59 =	vshll.u32 v3, $0x3  }
0xd7: {  	v3 =	vand.u32 $0x7, v3;
	v4 =	vand.u32 $0xFFFFFFC0, v59  }
0xd8: {  	v3 =	vor.u32 v3, v4  }
0xd9: {  	v4 =	vperm.xlane v3, v0;
	_ =	sdelay $0x1  }
0xda: {  	v4 =	vadd.s32 v1, v4;
	_ =	sdelay $0x3  }
0xdb: {  	s11 =	simm.s32 $0x4400  }
0xdc: {  	[tilespmem:s11], [sflag:$0x2] =	stream.indirect_vreg.gather [hbm4b:s1+s3], $0x80, v4, vm0, $0xb8;
	[tilespmem:$0x18400] =	vst v63  }
0xdd: {  	s0 =	simm.s32 $0x4C00;
	v3 =	vperm.xlane v3, v2  }
0xde: {  	[tilespmem:s0], [sflag:$0x2] =	stream.indirect_vreg.gather [hbm4b:s5+s3], $0x80, v4, vm0, $0xb8;
	[tilespmem:$0x18400] =	vst v63  }
0xdf: {  	s17 =	simm.s32 $0x5400;
	v3 =	vadd.s32 v1, v3  }
0xe0: {  	[tilespmem:s17], [sflag:$0x2] =	stream.indirect_vreg.gather [hbm4b:s6+s3], $0x80, v4, vm0, $0xb8;
	[tilespmem:$0x18400] =	vst v63  }
0xe1: {  	s0 =	simm.s32 $0x5C00  }
0xe2: {  	[tilespmem:s0], [sflag:$0x2] =	stream.indirect_vreg.gather [hbm4b:s7+s3], $0x80, v4, vm0, $0xb8;
	[tilespmem:$0x18400] =	vst v63  }
0xe3: {  	s17 =	simm.s32 $0x6400  }
0xe4: {  	[tilespmem:s17], [sflag:$0x2] =	stream.indirect_vreg.gather [hbm4b:s1+s3], $0x80, v3, vm0, $0xb8;
	[tilespmem:$0x18400] =	vst v63  }
0xe5: {  	s0 =	simm.s32 $0x6C00  }
0xe6: {  	[tilespmem:s0], [sflag:$0x2] =	stream.indirect_vreg.gather [hbm4b:s5+s3], $0x80, v3, vm0, $0xb8;
	[tilespmem:$0x18400] =	vst v63  }
0xe7: {  	s17 =	simm.s32 $0x7400  }
0xe8: {  	[tilespmem:s17], [sflag:$0x2] =	stream.indirect_vreg.gather [hbm4b:s6+s3], $0x80, v3, vm0, $0xb8;
	[tilespmem:$0x18400] =	vst v63  }
0xe9: {  	s0 =	simm.s32 $0x7C00  }
0xea: {  	[tilespmem:s0], [sflag:$0x2] =	stream.indirect_vreg.gather [hbm4b:s7+s3], $0x80, v3, vm0, $0xb8;
	[tilespmem:$0x18400] =	vst v63  }
0xeb: {  	_ =	swait.ge [sflag:s23], $0x4000  }
0xec: {  	[sflag:s23] =	ssyncset.done $0x0  }
0xed: {  	s4 =	sadd.s32 $0x2800, s19;
	s0 =	simm.s32 $0x14400;
	[sflag:s23] =	ssyncadd.s32 $0xFFFFC000  }
0xee: {  	[hbm4b:s4+s3] =	stream.linear.scatter [tilespmem:s0], [sflag:$0xC], $0x4000, $0x38;
	[tilespmem:$0x18400] =	vst v63  }
0xef: {  	s17 =	sadd.s32 $0xFFFFFF80, s16;
	_ =	swait.ge [sflag:s24], $0x4000  }
0xf0: {  	s17 =	sand.u32 $0x60, s17;
	s4 =	sand.u32 $0xF80, s16;
	[sflag:s24] =	ssyncset.done $0x0  }
0xf1: {  	s4 =	sor.u32 s17, s4;
	[sflag:s24] =	ssyncadd.s32 $0xFFFFC000  }
0xf2: {  	v3 =	vld [tilespmem:s4+$0x0];
	_ =	sdelay $0x4  }
0xf3: {  	v60 =	vshll.u32 v3, $0x3  }
0xf4: {  	v3 =	vand.u32 $0x7, v3;
	v4 =	vand.u32 $0xFFFFFFC0, v60  }
0xf5: {  	v3 =	vor.u32 v3, v4  }
0xf6: {  	v4 =	vperm.xlane v3, v0;
	_ =	sdelay $0x1  }
0xf7: {  	v4 =	vadd.s32 v1, v4;
	_ =	sdelay $0x3  }
0xf8: {  	s17 =	simm.s32 $0x8400  }
0xf9: {  	[tilespmem:s17], [sflag:$0x3] =	stream.indirect_vreg.gather [hbm4b:s1+s3], $0x80, v4, vm0, $0xb8;
	[tilespmem:$0x18400] =	vst v63  }
0xfa: {  	s4 =	simm.s32 $0x8C00;
	v3 =	vperm.xlane v3, v2  }
0xfb: {  	[tilespmem:s4], [sflag:$0x3] =	stream.indirect_vreg.gather [hbm4b:s5+s3], $0x80, v4, vm0, $0xb8;
	[tilespmem:$0x18400] =	vst v63  }
0xfc: {  	v3 =	vadd.s32 v1, v3;
	s4 =	simm.s32 $0x9400  }
0xfd: {  	[tilespmem:s4], [sflag:$0x3] =	stream.indirect_vreg.gather [hbm4b:s6+s3], $0x80, v4, vm0, $0xb8;
	[tilespmem:$0x18400] =	vst v63  }
0xfe: {  	s4 =	simm.s32 $0x9C00  }
0xff: {  	[tilespmem:s4], [sflag:$0x3] =	stream.indirect_vreg.gather [hbm4b:s7+s3], $0x80, v4, vm0, $0xb8;
	[tilespmem:$0x18400] =	vst v63  }
0x100: {  	s4 =	simm.s32 $0xA400  }
0x101: {  	[tilespmem:s4], [sflag:$0x3] =	stream.indirect_vreg.gather [hbm4b:s1+s3], $0x80, v3, vm0, $0xb8;
	[tilespmem:$0x18400] =	vst v63  }
0x102: {  	s4 =	simm.s32 $0xAC00  }
0x103: {  	[tilespmem:s4], [sflag:$0x3] =	stream.indirect_vreg.gather [hbm4b:s5+s3], $0x80, v3, vm0, $0xb8;
	[tilespmem:$0x18400] =	vst v63  }
0x104: {  	s4 =	simm.s32 $0xB400  }
0x105: {  	[tilespmem:s4], [sflag:$0x3] =	stream.indirect_vreg.gather [hbm4b:s6+s3], $0x80, v3, vm0, $0xb8;
	[tilespmem:$0x18400] =	vst v63  }
0x106: {  	s4 =	simm.s32 $0xBC00  }
0x107: {  	[tilespmem:s4], [sflag:$0x3] =	stream.indirect_vreg.gather [hbm4b:s7+s3], $0x80, v3, vm0, $0xb8;
	[tilespmem:$0x18400] =	vst v63  }
0x108: {  	_ =	swait.ge [sflag:s8], $0x4000  }
0x109: {  	[sflag:s8] =	ssyncset.done $0x0  }
0x10a: {  	s4 =	sadd.s32 $0x3000, s19;
	[sflag:s8] =	ssyncadd.s32 $0xFFFFC000  }
0x10b: {  	[hbm4b:s4+s3] =	stream.linear.scatter [tilespmem:s30], [sflag:$0x7], $0x4000, $0x38;
	[tilespmem:$0x18400] =	vst v63  }
0x10c: {  	_ =	swait.ge [sflag:s25], $0x4000  }
0x10d: {  	[sflag:s25] =	ssyncset.done $0x0  }
0x10e: {  	[sflag:s25] =	ssyncadd.s32 $0xFFFFC000  }
0x10f: {  	v3 =	vld [tilespmem:s28+$0xFFFFFFE0];
	_ =	sdelay $0x4  }
0x110: {  	v61 =	vshll.u32 v3, $0x3  }
0x111: {  	v3 =	vand.u32 $0x7, v3;
	v4 =	vand.u32 $0xFFFFFFC0, v61  }
0x112: {  	v3 =	vor.u32 v3, v4  }
0x113: {  	v4 =	vperm.xlane v3, v0;
	_ =	sdelay $0x1  }
0x114: {  	v4 =	vadd.s32 v1, v4;
	_ =	sdelay $0x4  }
0x115: {  	[tilespmem:s15], [sflag:$0x4] =	stream.indirect_vreg.gather [hbm4b:s1+s3], $0x80, v4, vm0, $0xb8;
	[tilespmem:$0x18400] =	vst v63  }
0x116: {  	s4 =	simm.s32 $0xCC00;
	v3 =	vperm.xlane v3, v2  }
0x117: {  	[tilespmem:s4], [sflag:$0x4] =	stream.indirect_vreg.gather [hbm4b:s5+s3], $0x80, v4, vm0, $0xb8;
	[tilespmem:$0x18400] =	vst v63  }
0x118: {  	v3 =	vadd.s32 v1, v3;
	s4 =	simm.s32 $0xD400  }
0x119: {  	[tilespmem:s4], [sflag:$0x4] =	stream.indirect_vreg.gather [hbm4b:s6+s3], $0x80, v4, vm0, $0xb8;
	[tilespmem:$0x18400] =	vst v63  }
0x11a: {  	s4 =	simm.s32 $0xDC00  }
0x11b: {  	[tilespmem:s4], [sflag:$0x4] =	stream.indirect_vreg.gather [hbm4b:s7+s3], $0x80, v4, vm0, $0xb8;
	[tilespmem:$0x18400] =	vst v63  }
0x11c: {  	s4 =	simm.s32 $0xE400  }
0x11d: {  	[tilespmem:s4], [sflag:$0x4] =	stream.indirect_vreg.gather [hbm4b:s1+s3], $0x80, v3, vm0, $0xb8;
	[tilespmem:$0x18400] =	vst v63  }
0x11e: {  	s4 =	simm.s32 $0xEC00  }
0x11f: {  	[tilespmem:s4], [sflag:$0x4] =	stream.indirect_vreg.gather [hbm4b:s5+s3], $0x80, v3, vm0, $0xb8;
	[tilespmem:$0x18400] =	vst v63  }
0x120: {  	s4 =	simm.s32 $0xF400  }
0x121: {  	[tilespmem:s4], [sflag:$0x4] =	stream.indirect_vreg.gather [hbm4b:s6+s3], $0x80, v3, vm0, $0xb8;
	[tilespmem:$0x18400] =	vst v63  }
0x122: {  	s4 =	simm.s32 $0xFC00  }
0x123: {  	[tilespmem:s4], [sflag:$0x4] =	stream.indirect_vreg.gather [hbm4b:s7+s3], $0x80, v3, vm0, $0xb8;
	[tilespmem:$0x18400] =	vst v63  }
0x124: {  	_ =	swait.ge [sflag:s31], $0x4000  }
0x125: {  	[sflag:s31] =	ssyncset.done $0x0  }
0x126: {  	s4 =	sadd.s32 $0x3800, s19;
	[sflag:s31] =	ssyncadd.s32 $0xFFFFC000  }
0x127: {  	[hbm4b:s4+s3] =	stream.linear.scatter [tilespmem:s11], [sflag:$0x8], $0x4000, $0x38;
	[tilespmem:$0x18400] =	vst v63  }
0x128: {  	_ =	swait.ge [sflag:s2], $0x4000  }
0x129: {  	[sflag:s2] =	ssyncset.done $0x0  }
0x12a: {  	[sflag:s2] =	ssyncadd.s32 $0xFFFFC000  }
0x12b: {  	v3 =	vld [tilespmem:s28+$0xFFFFFFF0];
	_ =	sdelay $0x4  }
0x12c: {  	v62 =	vshll.u32 v3, $0x3  }
0x12d: {  	v3 =	vand.u32 $0x7, v3;
	v4 =	vand.u32 $0xFFFFFFC0, v62  }
0x12e: {  	v3 =	vor.u32 v3, v4  }
0x12f: {  	v4 =	vperm.xlane v3, v0;
	_ =	sdelay $0x1  }
0x130: {  	v4 =	vadd.s32 v1, v4;
	_ =	sdelay $0x4  }
0x131: {  	[tilespmem:s20], [sflag:$0x5] =	stream.indirect_vreg.gather [hbm4b:s1+s3], $0x80, v4, vm0, $0xb8;
	[tilespmem:$0x18400] =	vst v63  }
0x132: {  	v3 =	vperm.xlane v3, v2;
	s20 =	simm.s32 $0x10C00  }
0x133: {  	[tilespmem:s20], [sflag:$0x5] =	stream.indirect_vreg.gather [hbm4b:s5+s3], $0x80, v4, vm0, $0xb8;
	[tilespmem:$0x18400] =	vst v63  }
0x134: {  	v3 =	vadd.s32 v1, v3;
	s20 =	simm.s32 $0x11400  }
0x135: {  	[tilespmem:s20], [sflag:$0x5] =	stream.indirect_vreg.gather [hbm4b:s6+s3], $0x80, v4, vm0, $0xb8;
	[tilespmem:$0x18400] =	vst v63  }
0x136: {  	_ = 	snop  }
0x137: {  	[tilespmem:s21], [sflag:$0x5] =	stream.indirect_vreg.gather [hbm4b:s7+s3], $0x80, v4, vm0, $0xb8;
	[tilespmem:$0x18400] =	vst v63  }
0x138: {  	s30 =	simm.s32 $0x12400  }
0x139: {  	[tilespmem:s30], [sflag:$0x5] =	stream.indirect_vreg.gather [hbm4b:s1+s3], $0x80, v3, vm0, $0xb8;
	[tilespmem:$0x18400] =	vst v63  }
0x13a: {  	s20 =	simm.s32 $0x12C00  }
0x13b: {  	[tilespmem:s20], [sflag:$0x5] =	stream.indirect_vreg.gather [hbm4b:s5+s3], $0x80, v3, vm0, $0xb8;
	[tilespmem:$0x18400] =	vst v63  }
0x13c: {  	s15 =	simm.s32 $0x13400  }
0x13d: {  	[tilespmem:s15], [sflag:$0x5] =	stream.indirect_vreg.gather [hbm4b:s6+s3], $0x80, v3, vm0, $0xb8;
	[tilespmem:$0x18400] =	vst v63  }
0x13e: {  	s20 =	simm.s32 $0x13C00  }
0x13f: {  	[tilespmem:s20], [sflag:$0x5] =	stream.indirect_vreg.gather [hbm4b:s7+s3], $0x80, v3, vm0, $0xb8;
	[tilespmem:$0x18400] =	vst v63  }
0x140: {  	_ =	swait.ge [sflag:s14], $0x4000  }
0x141: {  	[sflag:s14] =	ssyncset.done $0x0  }
0x142: {  	s20 =	sadd.s32 $0x4000, s19;
	[sflag:s14] =	ssyncadd.s32 $0xFFFFC000  }
0x143: {  	[hbm4b:s20+s3] =	stream.linear.scatter [tilespmem:s17], [sflag:$0x9], $0x4000, $0x38;
	[tilespmem:$0x18400] =	vst v63  }
0x144: {  	_ =	swait.ge [sflag:s26], $0x4000  }
0x145: {  	[sflag:s26] =	ssyncset.done $0x0  }
0x146: {  	[sflag:s26] =	ssyncadd.s32 $0xFFFFC000  }
0x147: {  	v3 =	vld [tilespmem:s28+$0x0];
	_ =	sdelay $0x4  }
0x148: {  	v63 =	vshll.u32 v3, $0x3  }
0x149: {  	v3 =	vand.u32 $0x7, v3;
	v4 =	vand.u32 $0xFFFFFFC0, v63  }
0x14a: {  	v3 =	vor.u32 v3, v4  }
0x14b: {  	v4 =	vperm.xlane v3, v0;
	_ =	sdelay $0x1  }
0x14c: {  	v4 =	vadd.s32 v1, v4;
	_ =	sdelay $0x4  }
0x14d: {  	[tilespmem:s0], [sflag:$0x6] =	stream.indirect_vreg.gather [hbm4b:s1+s3], $0x80, v4, vm0, $0xb8;
	[tilespmem:$0x18400] =	vst v63  }
0x14e: {  	s17 =	simm.s32 $0x14C00;
	v3 =	vperm.xlane v3, v2  }
0x14f: {  	[tilespmem:s17], [sflag:$0x6] =	stream.indirect_vreg.gather [hbm4b:s5+s3], $0x80, v4, vm0, $0xb8;
	[tilespmem:$0x18400] =	vst v63  }
0x150: {  	s19 =	simm.s32 $0x15400;
	v3 =	vadd.s32 v1, v3  }
0x151: {  	[tilespmem:s19], [sflag:$0x6] =	stream.indirect_vreg.gather [hbm4b:s6+s3], $0x80, v4, vm0, $0xb8;
	[tilespmem:$0x18400] =	vst v63  }
0x152: {  	s4 =	simm.s32 $0x15C00  }
0x153: {  	[tilespmem:s4], [sflag:$0x6] =	stream.indirect_vreg.gather [hbm4b:s7+s3], $0x80, v4, vm0, $0xb8;
	[tilespmem:$0x18400] =	vst v63  }
0x154: {  	s17 =	simm.s32 $0x16400  }
0x155: {  	[tilespmem:s17], [sflag:$0x6] =	stream.indirect_vreg.gather [hbm4b:s1+s3], $0x80, v3, vm0, $0xb8;
	[tilespmem:$0x18400] =	vst v63  }
0x156: {  	p0 =	sne.s32 s29, $0x18000;
	s19 =	simm.s32 $0x16C00  }
0x157: {  	[tilespmem:s19], [sflag:$0x6] =	stream.indirect_vreg.gather [hbm4b:s5+s3], $0x80, v3, vm0, $0xb8;
	[tilespmem:$0x18400] =	vst v63  }
.Ltmp0:
0x158: {  	_ = 	snop;
	(pc) =	sbr.rel @p0 .LBB2_2-.Ltmp0, $4  }
0x159: {  	s29 =	sadd.s32 $0x3000, s29;
	s16 =	sadd.s32 $0x60, s16  }
0x15a: {  	[tilespmem:s9], [sflag:$0x6] =	stream.indirect_vreg.gather [hbm4b:s6+s3], $0x80, v3, vm0, $0xb8;
	[tilespmem:$0x18400] =	vst v63  }
0x15b: {  	s11 =	simm.s32 $0x10400;
	s20 =	simm.s32 $0x14400;
	s28 =	sadd.s32 $0x60, s28  }
0x15c: {  	[tilespmem:s18], [sflag:$0x6] =	stream.indirect_vreg.gather [hbm4b:s7+s3], $0x80, v3, vm0, $0xb8;
	[tilespmem:$0x18400] =	vst v63  }
0x15d: {  	_ =	swait.ge [sflag:s10], $0x4000  }
0x15e: {  	[sflag:s10] =	ssyncset.done $0x0  }
0x15f: {  	s17 =	simm.s32 $0xC400;
	s4 =	rddreg [dreg:$0x9];
	[sflag:s10] =	ssyncadd.s32 $0xFFFFC000  }
0x160: {  	[hbm4b:s4+s3] =	stream.linear.scatter [tilespmem:s17], [sflag:$0xA], $0x4000, $0x38;
	[tilespmem:$0x18400] =	vst v63  }
0x161: {  	_ =	swait.ge [sflag:s12], $0x4000  }
0x162: {  	[sflag:s12] =	ssyncset.done $0x0  }
0x163: {  	[sflag:s12] =	ssyncadd.s32 $0xFFFFC000  }
0x164: {  	v3 =	vld [tilespmem:$0x3C0];
	_ =	sdelay $0x4  }
0x165: {  	v4 =	vshll.u32 v3, $0x3  }
0x166: {  	v3 =	vand.u32 $0x7, v3;
	v4 =	vand.u32 $0xFFFFFFC0, v4  }
0x167: {  	v3 =	vor.u32 v3, v4  }
0x168: {  	v4 =	vperm.xlane v3, v0;
	_ =	sdelay $0x1  }
0x169: {  	v4 =	vadd.s32 v1, v4;
	_ =	sdelay $0x3  }
0x16a: {  	s9 =	simm.s32 $0x400  }
0x16b: {  	[tilespmem:s9], [sflag:$0x1] =	stream.indirect_vreg.gather [hbm4b:s1+s3], $0x80, v4, vm0, $0xb8;
	[tilespmem:$0x18400] =	vst v63  }
0x16c: {  	s0 =	simm.s32 $0xC00;
	v3 =	vperm.xlane v3, v2  }
0x16d: {  	[tilespmem:s0], [sflag:$0x1] =	stream.indirect_vreg.gather [hbm4b:s5+s3], $0x80, v4, vm0, $0xb8;
	[tilespmem:$0x18400] =	vst v63  }
0x16e: {  	s16 =	simm.s32 $0x1400;
	v3 =	vadd.s32 v1, v3  }
0x16f: {  	[tilespmem:s16], [sflag:$0x1] =	stream.indirect_vreg.gather [hbm4b:s6+s3], $0x80, v4, vm0, $0xb8;
	[tilespmem:$0x18400] =	vst v63  }
0x170: {  	s18 =	simm.s32 $0x1C00  }
0x171: {  	[tilespmem:s18], [sflag:$0x1] =	stream.indirect_vreg.gather [hbm4b:s7+s3], $0x80, v4, vm0, $0xb8;
	[tilespmem:$0x18400] =	vst v63  }
0x172: {  	s19 =	simm.s32 $0x2400  }
0x173: {  	[tilespmem:s19], [sflag:$0x1] =	stream.indirect_vreg.gather [hbm4b:s1+s3], $0x80, v3, vm0, $0xb8;
	[tilespmem:$0x18400] =	vst v63  }
0x174: {  	s21 =	simm.s32 $0x2C00  }
0x175: {  	[tilespmem:s21], [sflag:$0x1] =	stream.indirect_vreg.gather [hbm4b:s5+s3], $0x80, v3, vm0, $0xb8;
	[tilespmem:$0x18400] =	vst v63  }
0x176: {  	s0 =	simm.s32 $0x3400  }
0x177: {  	[tilespmem:s0], [sflag:$0x1] =	stream.indirect_vreg.gather [hbm4b:s6+s3], $0x80, v3, vm0, $0xb8;
	[tilespmem:$0x18400] =	vst v63  }
0x178: {  	s16 =	simm.s32 $0x3C00  }
0x179: {  	[tilespmem:s16], [sflag:$0x1] =	stream.indirect_vreg.gather [hbm4b:s7+s3], $0x80, v3, vm0, $0xb8;
	[tilespmem:$0x18400] =	vst v63  }
0x17a: {  	_ =	swait.ge [sflag:s22], $0x4000  }
0x17b: {  	[sflag:s22] =	ssyncset.done $0x0  }
0x17c: {  	s18 =	rddreg [dreg:$0xa];
	[sflag:s22] =	ssyncadd.s32 $0xFFFFC000  }
0x17d: {  	[hbm4b:s18+s3] =	stream.linear.scatter [tilespmem:s11], [sflag:$0xB], $0x4000, $0x38;
	[tilespmem:$0x18400] =	vst v63  }
0x17e: {  	_ =	swait.ge [sflag:s13], $0x4000  }
0x17f: {  	[sflag:s13] =	ssyncset.done $0x0  }
0x180: {  	[sflag:s13] =	ssyncadd.s32 $0xFFFFC000  }
0x181: {  	v3 =	vld [tilespmem:$0x3D0];
	_ =	sdelay $0x4  }
0x182: {  	v61 =	vshll.u32 v3, $0x3  }
0x183: {  	v3 =	vand.u32 $0x7, v3;
	v4 =	vand.u32 $0xFFFFFFC0, v61  }
0x184: {  	v3 =	vor.u32 v3, v4  }
0x185: {  	v4 =	vperm.xlane v3, v0;
	_ =	sdelay $0x1  }
0x186: {  	v4 =	vadd.s32 v1, v4;
	_ =	sdelay $0x3  }
0x187: {  	s0 =	simm.s32 $0x4400  }
0x188: {  	[tilespmem:s0], [sflag:$0x2] =	stream.indirect_vreg.gather [hbm4b:s1+s3], $0x80, v4, vm0, $0xb8;
	[tilespmem:$0x18400] =	vst v63  }
0x189: {  	s19 =	simm.s32 $0x4C00;
	v3 =	vperm.xlane v3, v2  }
0x18a: {  	[tilespmem:s19], [sflag:$0x2] =	stream.indirect_vreg.gather [hbm4b:s5+s3], $0x80, v4, vm0, $0xb8;
	[tilespmem:$0x18400] =	vst v63  }
0x18b: {  	s21 =	simm.s32 $0x5400;
	v3 =	vadd.s32 v1, v3  }
0x18c: {  	[tilespmem:s21], [sflag:$0x2] =	stream.indirect_vreg.gather [hbm4b:s6+s3], $0x80, v4, vm0, $0xb8;
	[tilespmem:$0x18400] =	vst v63  }
0x18d: {  	s16 =	simm.s32 $0x5C00  }
0x18e: {  	[tilespmem:s16], [sflag:$0x2] =	stream.indirect_vreg.gather [hbm4b:s7+s3], $0x80, v4, vm0, $0xb8;
	[tilespmem:$0x18400] =	vst v63  }
0x18f: {  	s18 =	simm.s32 $0x6400  }
0x190: {  	[tilespmem:s18], [sflag:$0x2] =	stream.indirect_vreg.gather [hbm4b:s1+s3], $0x80, v3, vm0, $0xb8;
	[tilespmem:$0x18400] =	vst v63  }
0x191: {  	s19 =	simm.s32 $0x6C00  }
0x192: {  	[tilespmem:s19], [sflag:$0x2] =	stream.indirect_vreg.gather [hbm4b:s5+s3], $0x80, v3, vm0, $0xb8;
	[tilespmem:$0x18400] =	vst v63  }
0x193: {  	s21 =	simm.s32 $0x7400  }
0x194: {  	[tilespmem:s21], [sflag:$0x2] =	stream.indirect_vreg.gather [hbm4b:s6+s3], $0x80, v3, vm0, $0xb8;
	[tilespmem:$0x18400] =	vst v63  }
0x195: {  	s16 =	simm.s32 $0x7C00  }
0x196: {  	[tilespmem:s16], [sflag:$0x2] =	stream.indirect_vreg.gather [hbm4b:s7+s3], $0x80, v3, vm0, $0xb8;
	[tilespmem:$0x18400] =	vst v63  }
0x197: {  	_ =	swait.ge [sflag:s23], $0x4000  }
0x198: {  	[sflag:s23] =	ssyncset.done $0x0  }
0x199: {  	s18 =	rddreg [dreg:$0xb];
	[sflag:s23] =	ssyncadd.s32 $0xFFFFC000  }
0x19a: {  	[hbm4b:s18+s3] =	stream.linear.scatter [tilespmem:s20], [sflag:$0xC], $0x4000, $0x38;
	[tilespmem:$0x18400] =	vst v63  }
0x19b: {  	_ =	swait.ge [sflag:s24], $0x4000  }
0x19c: {  	[sflag:s24] =	ssyncset.done $0x0  }
0x19d: {  	[sflag:s24] =	ssyncadd.s32 $0xFFFFC000  }
0x19e: {  	v3 =	vld [tilespmem:$0x3E0];
	_ =	sdelay $0x4  }
0x19f: {  	v62 =	vshll.u32 v3, $0x3  }
0x1a0: {  	v3 =	vand.u32 $0x7, v3;
	v4 =	vand.u32 $0xFFFFFFC0, v62  }
0x1a1: {  	v3 =	vor.u32 v3, v4  }
0x1a2: {  	v4 =	vperm.xlane v3, v0;
	_ =	sdelay $0x1  }
0x1a3: {  	v4 =	vadd.s32 v1, v4;
	_ =	sdelay $0x3  }
0x1a4: {  	s16 =	simm.s32 $0x8400  }
0x1a5: {  	[tilespmem:s16], [sflag:$0x3] =	stream.indirect_vreg.gather [hbm4b:s1+s3], $0x80, v4, vm0, $0xb8;
	[tilespmem:$0x18400] =	vst v63  }
0x1a6: {  	s19 =	simm.s32 $0x8C00;
	v3 =	vperm.xlane v3, v2  }
0x1a7: {  	[tilespmem:s19], [sflag:$0x3] =	stream.indirect_vreg.gather [hbm4b:s5+s3], $0x80, v4, vm0, $0xb8;
	[tilespmem:$0x18400] =	vst v63  }
0x1a8: {  	s21 =	simm.s32 $0x9400;
	v3 =	vadd.s32 v1, v3  }
0x1a9: {  	[tilespmem:s21], [sflag:$0x3] =	stream.indirect_vreg.gather [hbm4b:s6+s3], $0x80, v4, vm0, $0xb8;
	[tilespmem:$0x18400] =	vst v63  }
0x1aa: {  	s18 =	simm.s32 $0x9C00  }
0x1ab: {  	[tilespmem:s18], [sflag:$0x3] =	stream.indirect_vreg.gather [hbm4b:s7+s3], $0x80, v4, vm0, $0xb8;
	[tilespmem:$0x18400] =	vst v63  }
0x1ac: {  	s19 =	simm.s32 $0xA400  }
0x1ad: {  	[tilespmem:s19], [sflag:$0x3] =	stream.indirect_vreg.gather [hbm4b:s1+s3], $0x80, v3, vm0, $0xb8;
	[tilespmem:$0x18400] =	vst v63  }
0x1ae: {  	s21 =	simm.s32 $0xAC00  }
0x1af: {  	[tilespmem:s21], [sflag:$0x3] =	stream.indirect_vreg.gather [hbm4b:s5+s3], $0x80, v3, vm0, $0xb8;
	[tilespmem:$0x18400] =	vst v63  }
0x1b0: {  	s18 =	simm.s32 $0xB400  }
0x1b1: {  	[tilespmem:s18], [sflag:$0x3] =	stream.indirect_vreg.gather [hbm4b:s6+s3], $0x80, v3, vm0, $0xb8;
	[tilespmem:$0x18400] =	vst v63  }
0x1b2: {  	s19 =	simm.s32 $0xBC00  }
0x1b3: {  	[tilespmem:s19], [sflag:$0x3] =	stream.indirect_vreg.gather [hbm4b:s7+s3], $0x80, v3, vm0, $0xb8;
	[tilespmem:$0x18400] =	vst v63  }
0x1b4: {  	_ =	swait.ge [sflag:s8], $0x4000  }
0x1b5: {  	[sflag:s8] =	ssyncset.done $0x0  }
0x1b6: {  	s21 =	rddreg [dreg:$0xc];
	[sflag:s8] =	ssyncadd.s32 $0xFFFFC000  }
0x1b7: {  	[hbm4b:s21+s3] =	stream.linear.scatter [tilespmem:s9], [sflag:$0x7], $0x4000, $0x38;
	[tilespmem:$0x18400] =	vst v63  }
0x1b8: {  	_ =	swait.ge [sflag:s25], $0x4000  }
0x1b9: {  	[sflag:s25] =	ssyncset.done $0x0  }
0x1ba: {  	[sflag:s25] =	ssyncadd.s32 $0xFFFFC000  }
0x1bb: {  	v3 =	vld [tilespmem:$0x3F0];
	_ =	sdelay $0x4  }
0x1bc: {  	v63 =	vshll.u32 v3, $0x3  }
0x1bd: {  	v3 =	vand.u32 $0x7, v3;
	v4 =	vand.u32 $0xFFFFFFC0, v63  }
0x1be: {  	v3 =	vor.u32 v3, v4  }
0x1bf: {  	v4 =	vperm.xlane v3, v0;
	_ =	sdelay $0x1  }
0x1c0: {  	v4 =	vadd.s32 v1, v4;
	_ =	sdelay $0x4  }
0x1c1: {  	[tilespmem:s17], [sflag:$0x4] =	stream.indirect_vreg.gather [hbm4b:s1+s3], $0x80, v4, vm0, $0xb8;
	[tilespmem:$0x18400] =	vst v63  }
0x1c2: {  	s9 =	simm.s32 $0xCC00;
	v3 =	vperm.xlane v3, v2  }
0x1c3: {  	[tilespmem:s9], [sflag:$0x4] =	stream.indirect_vreg.gather [hbm4b:s5+s3], $0x80, v4, vm0, $0xb8;
	[tilespmem:$0x18400] =	vst v63  }
0x1c4: {  	s18 =	simm.s32 $0xD400;
	v3 =	vadd.s32 v1, v3  }
0x1c5: {  	[tilespmem:s18], [sflag:$0x4] =	stream.indirect_vreg.gather [hbm4b:s6+s3], $0x80, v4, vm0, $0xb8;
	[tilespmem:$0x18400] =	vst v63  }
0x1c6: {  	s19 =	simm.s32 $0xDC00  }
0x1c7: {  	[tilespmem:s19], [sflag:$0x4] =	stream.indirect_vreg.gather [hbm4b:s7+s3], $0x80, v4, vm0, $0xb8;
	[tilespmem:$0x18400] =	vst v63  }
0x1c8: {  	s21 =	simm.s32 $0xE400  }
0x1c9: {  	[tilespmem:s21], [sflag:$0x4] =	stream.indirect_vreg.gather [hbm4b:s1+s3], $0x80, v3, vm0, $0xb8;
	[tilespmem:$0x18400] =	vst v63  }
0x1ca: {  	s9 =	simm.s32 $0xEC00  }
0x1cb: {  	[tilespmem:s9], [sflag:$0x4] =	stream.indirect_vreg.gather [hbm4b:s5+s3], $0x80, v3, vm0, $0xb8;
	[tilespmem:$0x18400] =	vst v63  }
0x1cc: {  	s18 =	simm.s32 $0xF400  }
0x1cd: {  	[tilespmem:s18], [sflag:$0x4] =	stream.indirect_vreg.gather [hbm4b:s6+s3], $0x80, v3, vm0, $0xb8;
	[tilespmem:$0x18400] =	vst v63  }
0x1ce: {  	s19 =	simm.s32 $0xFC00  }
0x1cf: {  	[tilespmem:s19], [sflag:$0x4] =	stream.indirect_vreg.gather [hbm4b:s7+s3], $0x80, v3, vm0, $0xb8;
	[tilespmem:$0x18400] =	vst v63  }
0x1d0: {  	_ =	swait.ge [sflag:s31], $0x4000  }
0x1d1: {  	[sflag:s31] =	ssyncset.done $0x0  }
0x1d2: {  	s21 =	rddreg [dreg:$0xd];
	[sflag:s31] =	ssyncadd.s32 $0xFFFFC000  }
0x1d3: {  	[hbm4b:s21+s3] =	stream.linear.scatter [tilespmem:s0], [sflag:$0x8], $0x4000, $0x38;
	[tilespmem:$0x18400] =	vst v63  }
0x1d4: {  	_ =	swait.ge [sflag:s2], $0x4000  }
0x1d5: {  	[sflag:s2] =	ssyncset.done $0x0  }
0x1d6: {  	[sflag:s2] =	ssyncadd.s32 $0xFFFFC000  }
0x1d7: {  	_ =	swait.ge [sflag:s14], $0x4000  }
0x1d8: {  	[sflag:s14] =	ssyncset.done $0x0  }
0x1d9: {  	s9 =	rddreg [dreg:$0xe];
	[sflag:s14] =	ssyncadd.s32 $0xFFFFC000  }
0x1da: {  	[hbm4b:s9+s3] =	stream.linear.scatter [tilespmem:s16], [sflag:$0x9], $0x4000, $0x38;
	[tilespmem:$0x18400] =	vst v63  }
0x1db: {  	_ =	swait.ge [sflag:s26], $0x4000  }
0x1dc: {  	[sflag:s26] =	ssyncset.done $0x0  }
0x1dd: {  	[sflag:s26] =	ssyncadd.s32 $0xFFFFC000  }
0x1de: {  	_ =	swait.ge [sflag:s10], $0x4000  }
0x1df: {  	[sflag:s10] =	ssyncset.done $0x0  }
0x1e0: {  	s18 =	rddreg [dreg:$0xf];
	[sflag:s10] =	ssyncadd.s32 $0xFFFFC000  }
0x1e1: {  	[hbm4b:s18+s3] =	stream.linear.scatter [tilespmem:s17], [sflag:$0xA], $0x4000, $0x38;
	[tilespmem:$0x18400] =	vst v63  }
0x1e2: {  	_ =	swait.ge [sflag:s12], $0x4000  }
0x1e3: {  	[sflag:s12] =	ssyncset.done $0x0  }
0x1e4: {  	[sflag:s12] =	ssyncadd.s32 $0xFFFFC000  }
0x1e5: {  	_ =	swait.ge [sflag:s13], $0x4000  }
0x1e6: {  	[sflag:s13] =	ssyncset.done $0x0  }
0x1e7: {  	[sflag:s13] =	ssyncadd.s32 $0xFFFFC000  }
0x1e8: {  	_ =	swait.ge [sflag:s24], $0x4000  }
0x1e9: {  	[sflag:s24] =	ssyncset.done $0x0  }
0x1ea: {  	[sflag:s24] =	ssyncadd.s32 $0xFFFFC000  }
0x1eb: {  	_ =	swait.ge [sflag:s25], $0x4000  }
0x1ec: {  	s19 =	rddreg [dreg:$0x11]  }
0x1ed: {  	s21 =	rddreg [dreg:$0x10];
	s16 =	sadd.s32 $0x1, s19  }
0x1ee: {  	p0 =	sne.s32 s16, s21  }
.Ltmp1:
0x1ef: {  	_ = 	snop;
	(pc) =	sbr.rel @p0 .LBB2_1-.Ltmp1, $4  }
0x1f0: {  	_ = 	snop  }
0x1f1: {  	s28 =	simm.s32 $0xC400;
	s29 =	simm.s32 $0x13C00  }
0x1f2: {  	s0 =	simm.s32 $0x12C00;
	s9 =	simm.s32 $0x11400;
	[sflag:s25] =	ssyncset.done $0x0  }
0x1f3: {  	s18 =	simm.s32 $0x10C00;
	[sflag:s25] =	ssyncadd.s32 $0xFFFFC000;
	s19 =	simm.s32 $0x11C00  }
0x1f4: {  	_ =	sfence.sel $0x180000  }
0x1f5: {  	[bflag:$0x0] =	sbarrier.arrive $0xFFFF  }
0x1f6: {  	_ =	strace $0x90000047  }
0x1f7: {  	s0 =	stileid.u32;
	[bflag:$0x2] =	sbarrier.arrive $0xFFFF  }
0x1f8: {  	p0 =	sne.s32 s0, $0x0;
	s0 =	rddreg [dreg:$0x3]  }
0x1f9: {  	s0 =	sadd.s32 @!p0 $0x100000, s0  }
0x1fa: {  	[sflag:s0] =	ssyncadd.tile.s32 @!p0 $0x1;
	_ =	shalt  }
.Lfunc_end2:
_tile_overlayer_lowered:
.L_overlay_start_2:
0x1fb: {  	(tag) =	ssettag $0x2  }
0x1fc: {  	s0 =	rddreg [dreg:$0x0];
	s2 =	stileid.u32  }
0x1fd: {  	s1 =	rddreg [dreg:$0x1];
	p0 =	sne.s32 s2, $0x0  }
0x1fe: {  	s3 =	rddreg [dreg:$0x2];
	[bflag:$0x3] =	sbarrier.arrive $0xFFFF;
	s2 =	simm.s32 @!p0 $0x1C0D  }
0x1ff: {  	[timem:s3], [sflag:s2] =	dma.local @!p0 [hbm:s0], s1  }
0x200: {  	s0 =	simm.s32 @!p0 $0xD  }
0x201: {  	_ =	swait.ge @!p0 [sflag:s0], s1  }
0x202: {  	s1 =	ssub.s32 @!p0 $0x0, s1;
	[sflag:s0] =	ssyncset.done @!p0 $0x0  }
0x203: {  	[sflag:s0] =	ssyncadd.s32 @!p0 s1  }
0x204: {  	[bflag:$0x3] =	sbarrier.arrive $0xFFFF  }
0x205: {  	_ =	shalt  }

</sc_bundles>
